<compile_context>
chip_gen: v7x
topology: tpu7x:2x2x1
jax: 0.10.2.dev20260603
libtpu: 0.0.44.dev20260713+nightly
codegen_flags: <defaults>
</compile_context>

<pallas_src>
import functools

import jax
import jax.numpy as jnp
from jax import lax
from jax.experimental import pallas as pl
from jax.experimental.pallas import tpu as pltpu
from jax.experimental.pallas import tpu_sc as plsc

_LANES = 16
_CHUNK = 8
_NBUF = 4
_AHEAD = 2


@functools.lru_cache(maxsize=None)
def _build(n_batch, t_cur, d_model):
    info = plsc.get_sparse_core_info()
    nc, ns = info.num_cores, info.num_subcores
    nw = nc * ns
    tpw = t_cur // nw
    c = _CHUNK
    nch_b = tpw // c
    nch = n_batch * nch_b
    cw = d_model // _LANES
    n_rows = n_batch * t_cur
    assert nch % _NBUF == 0

    mesh = plsc.VectorSubcoreMesh(core_axis_name="c", subcore_axis_name="s")

    @functools.partial(
        pl.kernel,
        mesh=mesh,
        out_type=jax.ShapeDtypeStruct((n_rows, d_model), jnp.float32),
        scratch_types=[
            pltpu.VMEM((n_batch * tpw,), jnp.int32),
            pltpu.VMEM((tpw, d_model), jnp.float32),
            pltpu.VMEM((_NBUF, c, d_model), jnp.float32),
            pltpu.SemaphoreType.DMA,
            pltpu.SemaphoreType.DMA,
            pltpu.SemaphoreType.DMA,
            pltpu.SemaphoreType.DMA,
            pltpu.SemaphoreType.DMA,
            pltpu.SemaphoreType.DMA,
            pltpu.SemaphoreType.DMA,
            pltpu.SemaphoreType.DMA,
            pltpu.SemaphoreType.DMA,
            pltpu.SemaphoreType.DMA,
        ],
    )
    def emb_kernel(idx_hbm, tok_hbm, pos_hbm, out_hbm,
                   idx_v, pos_v, rows_v, si, sp,
                   sg0, sg1, sg2, sg3, ss0, ss1, ss2, ss3):
        wid = lax.axis_index("s") * nc + lax.axis_index("c")
        tbase = wid * tpw

        pos_cp = pltpu.async_copy(pos_hbm.at[pl.ds(tbase, tpw)], pos_v, sp)
        icp = [pltpu.async_copy(idx_hbm.at[pl.ds(b * t_cur + tbase, tpw)],
                                idx_v.at[pl.ds(b * tpw, tpw)], si)
               for b in range(n_batch)]

        sgs = (sg0, sg1, sg2, sg3)
        sss = (ss0, ss1, ss2, ss3)
        icp[0].wait()

        def issue_gather(g, buf):
            return pltpu.async_copy(
                tok_hbm.at[idx_v.at[pl.ds(g * c, c)]], rows_v.at[buf],
                sgs[buf])

        for g in range(_AHEAD + 1):
            issue_gather(g, g % _NBUF)
        for b in range(1, n_batch):
            icp[b].wait()
        pos_cp.wait()

        def add_and_store(g, buf):
            pltpu.make_async_copy(
                tok_hbm.at[idx_v.at[pl.ds(g * c, c)]], rows_v.at[buf],
                sgs[buf]).wait()
            b = g // nch_b
            q = g % nch_b
            pr = q * c

            @plsc.parallel_loop(0, c * cw, unroll=8)
            def add_body(i):
                r = i // cw
                col = (i % cw) * _LANES
                x = pos_v[pr + r, pl.ds(col, _LANES)]
                plsc.addupdate(rows_v.at[buf, r, pl.ds(col, _LANES)], x)

            out_row = b * t_cur + tbase + q * c
            return pltpu.async_copy(
                rows_v.at[buf], out_hbm.at[pl.ds(out_row, c)], sss[buf])

        def wait_store(buf):
            pltpu.make_async_copy(
                rows_v.at[buf], out_hbm.at[pl.ds(0, c)], sss[buf]).wait()

        n_groups = nch // _NBUF

        def group_body(k, carry):
            g0 = k * _NBUF
            for j in range(_NBUF):
                g = g0 + j
                add_and_store(g, j)
                nxt = g + _AHEAD + 1

                @pl.when(nxt < nch)
                def _():
                    nbuf = (j + _AHEAD + 1) % _NBUF

                    @pl.when(nxt >= _NBUF)
                    def _():
                        wait_store(nbuf)

                    issue_gather(nxt, nbuf)
            return carry

        lax.fori_loop(0, n_groups, group_body, 0)

        for buf in range(_NBUF):
            wait_store(buf)

    return emb_kernel


def kernel(idx, tok_emb, pos_emb):
    n_batch, t_cur = idx.shape
    d_model = tok_emb.shape[1]
    flat_idx = idx.reshape(n_batch * t_cur).astype(jnp.int32)
    out = _build(n_batch, t_cur, d_model)(flat_idx, tok_emb, pos_emb)
    return out.reshape(n_batch, t_cur, d_model)

# --- scband reference (transcript-rebuilt; emitter-appended) ---
"""Pipeline reference for scband-embedding-layer-82566451298776 (READ-ONLY COPY).

The authoritative reference and input builder live on the scoring server;
editing this copy changes nothing except your own understanding.
"""

import jax, jax.numpy as jnp
import numpy as np

VOCAB = 100000
D_MODEL = 1024
BLOCK = 2048
B, T = 4, 2048

def setup_inputs(seed: int = 0) -> dict:
    key = jax.random.key(seed)
    k1, k2, k3 = jax.random.split(key, 3)
    idx = jax.random.randint(k1, (B, T), 0, VOCAB, dtype=jnp.int64 if jax.config.jax_enable_x64 else jnp.int32)
    tok_emb = jax.random.normal(k2, (VOCAB, D_MODEL), dtype=jnp.float32) * 0.02
    pos_emb = jax.random.normal(k3, (BLOCK, D_MODEL), dtype=jnp.float32) * 0.02
    return {"idx": idx, "tok_emb": tok_emb, "pos_emb": pos_emb}

def reference(idx, tok_emb, pos_emb):
    Tcur = idx.shape[1]
    pos = jnp.arange(0, Tcur)[None, :]  # [1, T]
    tok = jnp.take(tok_emb, idx, axis=0)          # [B, T, D] gather
    posv = jnp.take(pos_emb, pos, axis=0)         # [1, T, D] gather
    return tok + posv

if __name__ == "__main__":
    import jax
    _d = setup_inputs()
    print(jax.jit(kernel)(*tuple(_d.values())))

</pallas_src>

<mosaic_0001>
#map = affine_map<(d0, d1) -> (0)>
#map1 = affine_map<(d0, d1) -> (0, 0)>
module attributes {stable_mosaic.version = 14 : i64} {
  func.func @emb_kernel(%arg0: i32, %arg1: i32, %arg2: memref<8192xi32, #tpu.memory_space<hbm>>, %arg3: memref<100000x1024xf32, #tpu.memory_space<hbm>>, %arg4: memref<2048x1024xf32, #tpu.memory_space<hbm>>, %arg5: memref<8192x1024xf32, #tpu.memory_space<hbm>>, %arg6: memref<256xi32, #tpu.memory_space<vmem>>, %arg7: memref<64x1024xf32, #tpu.memory_space<vmem>>, %arg8: memref<4x8x1024xf32, #tpu.memory_space<vmem>>, %arg9: memref<!tpu.dma_semaphore, #tpu.memory_space<semaphore_mem>>, %arg10: memref<!tpu.dma_semaphore, #tpu.memory_space<semaphore_mem>>, %arg11: memref<!tpu.dma_semaphore, #tpu.memory_space<semaphore_mem>>, %arg12: memref<!tpu.dma_semaphore, #tpu.memory_space<semaphore_mem>>, %arg13: memref<!tpu.dma_semaphore, #tpu.memory_space<semaphore_mem>>, %arg14: memref<!tpu.dma_semaphore, #tpu.memory_space<semaphore_mem>>, %arg15: memref<!tpu.dma_semaphore, #tpu.memory_space<semaphore_mem>>, %arg16: memref<!tpu.dma_semaphore, #tpu.memory_space<semaphore_mem>>, %arg17: memref<!tpu.dma_semaphore, #tpu.memory_space<semaphore_mem>>, %arg18: memref<!tpu.dma_semaphore, #tpu.memory_space<semaphore_mem>>) attributes {dimension_semantics = [#tpu.dimension_semantics<core_parallel>, #tpu.dimension_semantics<subcore_parallel>], iteration_bounds = array<i64: 2, 16>, scalar_prefetch = 0 : i64, scratch_operands = 13 : i64, tpu.core_type = #tpu.core_type<sc_vector_subcore>, window_params = [{transform_indices = #map}, {transform_indices = #map1}, {transform_indices = #map1}, {transform_indices = #map1}]} {
    %mul3A = arith.constant 2 : i32
    %mul3A_0 = arith.muli %arg1, %mul3A : i32
    %add3A = arith.addi %mul3A_0, %arg0 : i32
    %mul3A_1 = arith.constant 64 : i32
    %mul3A_2 = arith.muli %add3A, %mul3A_1 : i32
    %dma_start3A = arith.constant 0 : i32
    %dma_start3A_3 = tpu.memref_slice %arg4[%mul3A_2, %dma_start3A] : memref<2048x1024xf32, #tpu.memory_space<hbm>> -> memref<64x1024xf32, #tpu.memory_space<hbm>>
    %dma_start3A_4 = arith.constant 0 : i32
    %dma_start3A_5 = tpu.memref_slice %arg4[%mul3A_2, %dma_start3A_4] : memref<2048x1024xf32, #tpu.memory_space<hbm>> -> memref<64x1024xf32, #tpu.memory_space<hbm>>
    tpu.enqueue_dma source(%dma_start3A_5 : memref<64x1024xf32, #tpu.memory_space<hbm>>) target(%arg7 : memref<64x1024xf32, #tpu.memory_space<vmem>>) target_semaphore(%arg10 : memref<!tpu.dma_semaphore, #tpu.memory_space<semaphore_mem>>)
    %add3A_6 = arith.constant 0 : i32
    %add3A_7 = arith.addi %add3A_6, %mul3A_2 : i32
    %dma_start3A_8 = arith.constant 0 : i32
    %dma_start3A_9 = tpu.memref_slice %arg6[%dma_start3A_8] : memref<256xi32, #tpu.memory_space<vmem>> -> memref<64xi32, #tpu.memory_space<vmem>>
    %dma_start3A_10 = tpu.memref_slice %arg2[%add3A_7] : memref<8192xi32, #tpu.memory_space<hbm>> -> memref<64xi32, #tpu.memory_space<hbm>>
    %dma_start3A_11 = arith.constant 0 : i32
    %dma_start3A_12 = tpu.memref_slice %arg6[%dma_start3A_11] : memref<256xi32, #tpu.memory_space<vmem>> -> memref<64xi32, #tpu.memory_space<vmem>>
    %dma_start3A_13 = tpu.memref_slice %arg2[%add3A_7] : memref<8192xi32, #tpu.memory_space<hbm>> -> memref<64xi32, #tpu.memory_space<hbm>>
    tpu.enqueue_dma source(%dma_start3A_13 : memref<64xi32, #tpu.memory_space<hbm>>) target(%dma_start3A_12 : memref<64xi32, #tpu.memory_space<vmem>>) target_semaphore(%arg9 : memref<!tpu.dma_semaphore, #tpu.memory_space<semaphore_mem>>)
    %add3A_14 = arith.constant 2048 : i32
    %add3A_15 = arith.addi %add3A_14, %mul3A_2 : i32
    %dma_start3A_16 = arith.constant 64 : i32
    %dma_start3A_17 = tpu.memref_slice %arg6[%dma_start3A_16] : memref<256xi32, #tpu.memory_space<vmem>> -> memref<64xi32, #tpu.memory_space<vmem>>
    %dma_start3A_18 = tpu.memref_slice %arg2[%add3A_15] : memref<8192xi32, #tpu.memory_space<hbm>> -> memref<64xi32, #tpu.memory_space<hbm>>
    %dma_start3A_19 = arith.constant 64 : i32
    %dma_start3A_20 = tpu.memref_slice %arg6[%dma_start3A_19] : memref<256xi32, #tpu.memory_space<vmem>> -> memref<64xi32, #tpu.memory_space<vmem>>
    %dma_start3A_21 = tpu.memref_slice %arg2[%add3A_15] : memref<8192xi32, #tpu.memory_space<hbm>> -> memref<64xi32, #tpu.memory_space<hbm>>
    tpu.enqueue_dma source(%dma_start3A_21 : memref<64xi32, #tpu.memory_space<hbm>>) target(%dma_start3A_20 : memref<64xi32, #tpu.memory_space<vmem>>) target_semaphore(%arg9 : memref<!tpu.dma_semaphore, #tpu.memory_space<semaphore_mem>>)
    %add3A_22 = arith.constant 4096 : i32
    %add3A_23 = arith.addi %add3A_22, %mul3A_2 : i32
    %dma_start3A_24 = arith.constant 128 : i32
    %dma_start3A_25 = tpu.memref_slice %arg6[%dma_start3A_24] : memref<256xi32, #tpu.memory_space<vmem>> -> memref<64xi32, #tpu.memory_space<vmem>>
    %dma_start3A_26 = tpu.memref_slice %arg2[%add3A_23] : memref<8192xi32, #tpu.memory_space<hbm>> -> memref<64xi32, #tpu.memory_space<hbm>>
    %dma_start3A_27 = arith.constant 128 : i32
    %dma_start3A_28 = tpu.memref_slice %arg6[%dma_start3A_27] : memref<256xi32, #tpu.memory_space<vmem>> -> memref<64xi32, #tpu.memory_space<vmem>>
    %dma_start3A_29 = tpu.memref_slice %arg2[%add3A_23] : memref<8192xi32, #tpu.memory_space<hbm>> -> memref<64xi32, #tpu.memory_space<hbm>>
    tpu.enqueue_dma source(%dma_start3A_29 : memref<64xi32, #tpu.memory_space<hbm>>) target(%dma_start3A_28 : memref<64xi32, #tpu.memory_space<vmem>>) target_semaphore(%arg9 : memref<!tpu.dma_semaphore, #tpu.memory_space<semaphore_mem>>)
    %add3A_30 = arith.constant 6144 : i32
    %add3A_31 = arith.addi %add3A_30, %mul3A_2 : i32
    %dma_start3A_32 = arith.constant 192 : i32
    %dma_start3A_33 = tpu.memref_slice %arg6[%dma_start3A_32] : memref<256xi32, #tpu.memory_space<vmem>> -> memref<64xi32, #tpu.memory_space<vmem>>
    %dma_start3A_34 = tpu.memref_slice %arg2[%add3A_31] : memref<8192xi32, #tpu.memory_space<hbm>> -> memref<64xi32, #tpu.memory_space<hbm>>
    %dma_start3A_35 = arith.constant 192 : i32
    %dma_start3A_36 = tpu.memref_slice %arg6[%dma_start3A_35] : memref<256xi32, #tpu.memory_space<vmem>> -> memref<64xi32, #tpu.memory_space<vmem>>
    %dma_start3A_37 = tpu.memref_slice %arg2[%add3A_31] : memref<8192xi32, #tpu.memory_space<hbm>> -> memref<64xi32, #tpu.memory_space<hbm>>
    tpu.enqueue_dma source(%dma_start3A_37 : memref<64xi32, #tpu.memory_space<hbm>>) target(%dma_start3A_36 : memref<64xi32, #tpu.memory_space<vmem>>) target_semaphore(%arg9 : memref<!tpu.dma_semaphore, #tpu.memory_space<semaphore_mem>>)
    %dma_wait3A = arith.constant 0 : i32
    %dma_wait3A_38 = tpu.memref_slice %arg6[%dma_wait3A] : memref<256xi32, #tpu.memory_space<vmem>> -> memref<64xi32, #tpu.memory_space<vmem>>
    %dma_wait3A_39 = tpu.memref_slice %arg2[%add3A_7] : memref<8192xi32, #tpu.memory_space<hbm>> -> memref<64xi32, #tpu.memory_space<hbm>>
    %dma_wait3A_40 = arith.constant 0 : i32
    %dma_wait3A_41 = tpu.memref_slice %arg6[%dma_wait3A_40] : memref<256xi32, #tpu.memory_space<vmem>> -> memref<64xi32, #tpu.memory_space<vmem>>
    %dma_wait3A_42 = tpu.memref_slice %arg2[%add3A_7] : memref<8192xi32, #tpu.memory_space<hbm>> -> memref<64xi32, #tpu.memory_space<hbm>>
    tpu.wait_dma2 semaphore(%arg9 : memref<!tpu.dma_semaphore, #tpu.memory_space<semaphore_mem>>) src(%dma_wait3A_42 : memref<64xi32, #tpu.memory_space<hbm>>) dst(%dma_wait3A_41 : memref<64xi32, #tpu.memory_space<vmem>>)
    %dma_start3A_43 = arith.constant 0 : i32
    %dma_start3A_44 = arith.constant 0 : i32
    %dma_start3A_45 = arith.constant 0 : i32
    %dma_start3A_46 = tpu.memref_slice %arg8[%dma_start3A_43, %dma_start3A_44, %dma_start3A_45] : memref<4x8x1024xf32, #tpu.memory_space<vmem>> -> memref<1x8x1024xf32, #tpu.memory_space<vmem>>
    %dma_start3A_47 = tpu.memref_squeeze %dma_start3A_46 : memref<1x8x1024xf32, #tpu.memory_space<vmem>> -> memref<8x1024xf32, #tpu.memory_space<vmem>>
    %dma_start3A_48 = arith.constant 0 : i32
    %dma_start3A_49 = tpu.memref_slice %arg6[%dma_start3A_48] : memref<256xi32, #tpu.memory_space<vmem>> -> memref<8xi32, #tpu.memory_space<vmem>>
    %dma_start3A_50 = arith.constant 0 : i32
    %dma_start3A_51 = arith.constant 0 : i32
    %dma_start3A_52 = tpu.memref_slice %arg3[%dma_start3A_50, %dma_start3A_51] : memref<100000x1024xf32, #tpu.memory_space<hbm>> -> memref<100000x1024xf32, #tpu.memory_space<hbm>>
    tpu.enqueue_indirect_dma source(%dma_start3A_52 : memref<100000x1024xf32, #tpu.memory_space<hbm>>) target(%dma_start3A_47 : memref<8x1024xf32, #tpu.memory_space<vmem>>) offsets(%dma_start3A_49 : memref<8xi32, #tpu.memory_space<vmem>>) semaphore(%arg11 : memref<!tpu.dma_semaphore, #tpu.memory_space<semaphore_mem>>)
    %dma_start3A_53 = arith.constant 1 : i32
    %dma_start3A_54 = arith.constant 0 : i32
    %dma_start3A_55 = arith.constant 0 : i32
    %dma_start3A_56 = tpu.memref_slice %arg8[%dma_start3A_53, %dma_start3A_54, %dma_start3A_55] : memref<4x8x1024xf32, #tpu.memory_space<vmem>> -> memref<1x8x1024xf32, #tpu.memory_space<vmem>>
    %dma_start3A_57 = tpu.memref_squeeze %dma_start3A_56 : memref<1x8x1024xf32, #tpu.memory_space<vmem>> -> memref<8x1024xf32, #tpu.memory_space<vmem>>
    %dma_start3A_58 = arith.constant 8 : i32
    %dma_start3A_59 = tpu.memref_slice %arg6[%dma_start3A_58] : memref<256xi32, #tpu.memory_space<vmem>> -> memref<8xi32, #tpu.memory_space<vmem>>
    %dma_start3A_60 = arith.constant 0 : i32
    %dma_start3A_61 = arith.constant 0 : i32
    %dma_start3A_62 = tpu.memref_slice %arg3[%dma_start3A_60, %dma_start3A_61] : memref<100000x1024xf32, #tpu.memory_space<hbm>> -> memref<100000x1024xf32, #tpu.memory_space<hbm>>
    tpu.enqueue_indirect_dma source(%dma_start3A_62 : memref<100000x1024xf32, #tpu.memory_space<hbm>>) target(%dma_start3A_57 : memref<8x1024xf32, #tpu.memory_space<vmem>>) offsets(%dma_start3A_59 : memref<8xi32, #tpu.memory_space<vmem>>) semaphore(%arg12 : memref<!tpu.dma_semaphore, #tpu.memory_space<semaphore_mem>>)
    %dma_start3A_63 = arith.constant 2 : i32
    %dma_start3A_64 = arith.constant 0 : i32
    %dma_start3A_65 = arith.constant 0 : i32
    %dma_start3A_66 = tpu.memref_slice %arg8[%dma_start3A_63, %dma_start3A_64, %dma_start3A_65] : memref<4x8x1024xf32, #tpu.memory_space<vmem>> -> memref<1x8x1024xf32, #tpu.memory_space<vmem>>
    %dma_start3A_67 = tpu.memref_squeeze %dma_start3A_66 : memref<1x8x1024xf32, #tpu.memory_space<vmem>> -> memref<8x1024xf32, #tpu.memory_space<vmem>>
    %dma_start3A_68 = arith.constant 16 : i32
    %dma_start3A_69 = tpu.memref_slice %arg6[%dma_start3A_68] : memref<256xi32, #tpu.memory_space<vmem>> -> memref<8xi32, #tpu.memory_space<vmem>>
    %dma_start3A_70 = arith.constant 0 : i32
    %dma_start3A_71 = arith.constant 0 : i32
    %dma_start3A_72 = tpu.memref_slice %arg3[%dma_start3A_70, %dma_start3A_71] : memref<100000x1024xf32, #tpu.memory_space<hbm>> -> memref<100000x1024xf32, #tpu.memory_space<hbm>>
    tpu.enqueue_indirect_dma source(%dma_start3A_72 : memref<100000x1024xf32, #tpu.memory_space<hbm>>) target(%dma_start3A_67 : memref<8x1024xf32, #tpu.memory_space<vmem>>) offsets(%dma_start3A_69 : memref<8xi32, #tpu.memory_space<vmem>>) semaphore(%arg13 : memref<!tpu.dma_semaphore, #tpu.memory_space<semaphore_mem>>)
    %dma_wait3A_73 = arith.constant 64 : i32
    %dma_wait3A_74 = tpu.memref_slice %arg6[%dma_wait3A_73] : memref<256xi32, #tpu.memory_space<vmem>> -> memref<64xi32, #tpu.memory_space<vmem>>
    %dma_wait3A_75 = tpu.memref_slice %arg2[%add3A_15] : memref<8192xi32, #tpu.memory_space<hbm>> -> memref<64xi32, #tpu.memory_space<hbm>>
    %dma_wait3A_76 = arith.constant 64 : i32
    %dma_wait3A_77 = tpu.memref_slice %arg6[%dma_wait3A_76] : memref<256xi32, #tpu.memory_space<vmem>> -> memref<64xi32, #tpu.memory_space<vmem>>
    %dma_wait3A_78 = tpu.memref_slice %arg2[%add3A_15] : memref<8192xi32, #tpu.memory_space<hbm>> -> memref<64xi32, #tpu.memory_space<hbm>>
    tpu.wait_dma2 semaphore(%arg9 : memref<!tpu.dma_semaphore, #tpu.memory_space<semaphore_mem>>) src(%dma_wait3A_78 : memref<64xi32, #tpu.memory_space<hbm>>) dst(%dma_wait3A_77 : memref<64xi32, #tpu.memory_space<vmem>>)
    %dma_wait3A_79 = arith.constant 128 : i32
    %dma_wait3A_80 = tpu.memref_slice %arg6[%dma_wait3A_79] : memref<256xi32, #tpu.memory_space<vmem>> -> memref<64xi32, #tpu.memory_space<vmem>>
    %dma_wait3A_81 = tpu.memref_slice %arg2[%add3A_23] : memref<8192xi32, #tpu.memory_space<hbm>> -> memref<64xi32, #tpu.memory_space<hbm>>
    %dma_wait3A_82 = arith.constant 128 : i32
    %dma_wait3A_83 = tpu.memref_slice %arg6[%dma_wait3A_82] : memref<256xi32, #tpu.memory_space<vmem>> -> memref<64xi32, #tpu.memory_space<vmem>>
    %dma_wait3A_84 = tpu.memref_slice %arg2[%add3A_23] : memref<8192xi32, #tpu.memory_space<hbm>> -> memref<64xi32, #tpu.memory_space<hbm>>
    tpu.wait_dma2 semaphore(%arg9 : memref<!tpu.dma_semaphore, #tpu.memory_space<semaphore_mem>>) src(%dma_wait3A_84 : memref<64xi32, #tpu.memory_space<hbm>>) dst(%dma_wait3A_83 : memref<64xi32, #tpu.memory_space<vmem>>)
    %dma_wait3A_85 = arith.constant 192 : i32
    %dma_wait3A_86 = tpu.memref_slice %arg6[%dma_wait3A_85] : memref<256xi32, #tpu.memory_space<vmem>> -> memref<64xi32, #tpu.memory_space<vmem>>
    %dma_wait3A_87 = tpu.memref_slice %arg2[%add3A_31] : memref<8192xi32, #tpu.memory_space<hbm>> -> memref<64xi32, #tpu.memory_space<hbm>>
    %dma_wait3A_88 = arith.constant 192 : i32
    %dma_wait3A_89 = tpu.memref_slice %arg6[%dma_wait3A_88] : memref<256xi32, #tpu.memory_space<vmem>> -> memref<64xi32, #tpu.memory_space<vmem>>
    %dma_wait3A_90 = tpu.memref_slice %arg2[%add3A_31] : memref<8192xi32, #tpu.memory_space<hbm>> -> memref<64xi32, #tpu.memory_space<hbm>>
    tpu.wait_dma2 semaphore(%arg9 : memref<!tpu.dma_semaphore, #tpu.memory_space<semaphore_mem>>) src(%dma_wait3A_90 : memref<64xi32, #tpu.memory_space<hbm>>) dst(%dma_wait3A_89 : memref<64xi32, #tpu.memory_space<vmem>>)
    %dma_wait3A_91 = arith.constant 0 : i32
    %dma_wait3A_92 = tpu.memref_slice %arg4[%mul3A_2, %dma_wait3A_91] : memref<2048x1024xf32, #tpu.memory_space<hbm>> -> memref<64x1024xf32, #tpu.memory_space<hbm>>
    %dma_wait3A_93 = arith.constant 0 : i32
    %dma_wait3A_94 = tpu.memref_slice %arg4[%mul3A_2, %dma_wait3A_93] : memref<2048x1024xf32, #tpu.memory_space<hbm>> -> memref<64x1024xf32, #tpu.memory_space<hbm>>
    tpu.wait_dma2 semaphore(%arg10 : memref<!tpu.dma_semaphore, #tpu.memory_space<semaphore_mem>>) src(%dma_wait3A_94 : memref<64x1024xf32, #tpu.memory_space<hbm>>) dst(%arg7 : memref<64x1024xf32, #tpu.memory_space<vmem>>)
    %scan3A = arith.constant 0 : i32
    %scan3A_95 = arith.constant 0 : i32
    %scan3A_96 = arith.constant 8 : i32
    %scan3A_97 = arith.addi %scan3A_95, %scan3A_96 : i32
    %scan3A_98 = arith.constant 1 : i32
    scf.for %scan3A_160 = %scan3A_95 to %scan3A_97 step %scan3A_98  : i32 {
      %mul3A_161 = arith.constant 4 : i32
      %mul3A_162 = arith.muli %scan3A_160, %mul3A_161 : i32
      %add3A_163 = arith.constant 0 : i32
      %add3A_164 = arith.addi %mul3A_162, %add3A_163 : i32
      %mul3A_165 = arith.constant 8 : i32
      %mul3A_166 = arith.muli %add3A_164, %mul3A_165 : i32
      %dma_wait3A_167 = arith.constant 0 : i32
      %dma_wait3A_168 = arith.constant 0 : i32
      %dma_wait3A_169 = arith.constant 0 : i32
      %dma_wait3A_170 = tpu.memref_slice %arg8[%dma_wait3A_167, %dma_wait3A_168, %dma_wait3A_169] : memref<4x8x1024xf32, #tpu.memory_space<vmem>> -> memref<1x8x1024xf32, #tpu.memory_space<vmem>>
      %dma_wait3A_171 = tpu.memref_squeeze %dma_wait3A_170 : memref<1x8x1024xf32, #tpu.memory_space<vmem>> -> memref<8x1024xf32, #tpu.memory_space<vmem>>
      %dma_wait3A_172 = tpu.memref_slice %arg6[%mul3A_166] : memref<256xi32, #tpu.memory_space<vmem>> -> memref<8xi32, #tpu.memory_space<vmem>>
      %dma_wait3A_173 = arith.constant 0 : i32
      %dma_wait3A_174 = arith.constant 0 : i32
      %dma_wait3A_175 = tpu.memref_slice %arg3[%dma_wait3A_173, %dma_wait3A_174] : memref<100000x1024xf32, #tpu.memory_space<hbm>> -> memref<100000x1024xf32, #tpu.memory_space<hbm>>
      tpu.wait_indirect_dma semaphore(%arg11 : memref<!tpu.dma_semaphore, #tpu.memory_space<semaphore_mem>>) src(%dma_wait3A_175 : memref<100000x1024xf32, #tpu.memory_space<hbm>>) dst(%dma_wait3A_171 : memref<8x1024xf32, #tpu.memory_space<vmem>>)
      %jit3A = arith.constant 8 : i32
      %div3A = arith.divsi %add3A_164, %jit3A : i32
      %sign3A = arith.constant 0 : i32
      %sign3A_176 = arith.cmpi sgt, %add3A_164, %sign3A : i32
      %sign3A_177 = arith.extui %sign3A_176 : i1 to i32
      %sign3A_178 = arith.constant 0 : i32
      %sign3A_179 = arith.cmpi slt, %add3A_164, %sign3A_178 : i32
      %sign3A_180 = arith.extui %sign3A_179 : i1 to i32
      %sign3A_181 = arith.subi %sign3A_177, %sign3A_180 : i32
      %sign3A_182 = arith.constant 0 : i32
      %sign3A_183 = arith.cmpi sgt, %jit3A, %sign3A_182 : i32
      %sign3A_184 = arith.extui %sign3A_183 : i1 to i32
      %sign3A_185 = arith.constant 0 : i32
      %sign3A_186 = arith.cmpi slt, %jit3A, %sign3A_185 : i32
      %sign3A_187 = arith.extui %sign3A_186 : i1 to i32
      %sign3A_188 = arith.subi %sign3A_184, %sign3A_187 : i32
      %ne3A = arith.cmpi ne, %sign3A_181, %sign3A_188 : i32
      %rem3A = arith.remsi %add3A_164, %jit3A : i32
      %ne3A_189 = arith.constant 0 : i32
      %ne3A_190 = arith.cmpi ne, %rem3A, %ne3A_189 : i32
      %and3A = arith.andi %ne3A, %ne3A_190 : i1
      %sub3A = arith.constant 1 : i32
      %sub3A_191 = arith.subi %div3A, %sub3A : i32
      %select_n3A = arith.select %and3A, %sub3A_191, %div3A : i32
      %jit3A_192 = arith.constant 8 : i32
      %eq3A = arith.constant 0 : i32
      %eq3A_193 = arith.cmpi eq, %jit3A_192, %eq3A : i32
      %jit3A_194 = arith.constant 1 : i32
      %select_n3A_195 = arith.select %eq3A_193, %jit3A_194, %jit3A_192 : i32
      %rem3A_196 = arith.remsi %add3A_164, %select_n3A_195 : i32
      %ne3A_197 = arith.constant 0 : i32
      %ne3A_198 = arith.cmpi ne, %rem3A_196, %ne3A_197 : i32
      %lt3A = arith.constant 0 : i32
      %lt3A_199 = arith.cmpi slt, %rem3A_196, %lt3A : i32
      %lt3A_200 = arith.constant 0 : i32
      %lt3A_201 = arith.cmpi slt, %select_n3A_195, %lt3A_200 : i32
      %ne3A_202 = arith.xori %lt3A_199, %lt3A_201 : i1
      %and3A_203 = arith.andi %ne3A_202, %ne3A_198 : i1
      %add3A_204 = arith.addi %rem3A_196, %select_n3A_195 : i32
      %select_n3A_205 = arith.select %and3A_203, %add3A_204, %rem3A_196 : i32
      %mul3A_206 = arith.constant 8 : i32
      %mul3A_207 = arith.muli %select_n3A_205, %mul3A_206 : i32
      %parallel_loop3A = arith.constant 0 : i32
      %parallel_loop3A_208 = arith.constant 512 : i32
      %parallel_loop3A_209 = arith.constant 1 : i32
      scf.for %parallel_loop3A_494 = %parallel_loop3A to %parallel_loop3A_208 step %parallel_loop3A_209  : i32 {
        %parallel_loop3A_495 = arith.constant 64 : i32
        %parallel_loop3A_496 = arith.divsi %parallel_loop3A_494, %parallel_loop3A_495 : i32
        %parallel_loop3A_497 = arith.constant 0 : i32
        %parallel_loop3A_498 = arith.cmpi sgt, %parallel_loop3A_494, %parallel_loop3A_497 : i32
        %parallel_loop3A_499 = arith.extui %parallel_loop3A_498 : i1 to i32
        %parallel_loop3A_500 = arith.constant 0 : i32
        %parallel_loop3A_501 = arith.cmpi slt, %parallel_loop3A_494, %parallel_loop3A_500 : i32
        %parallel_loop3A_502 = arith.extui %parallel_loop3A_501 : i1 to i32
        %parallel_loop3A_503 = arith.subi %parallel_loop3A_499, %parallel_loop3A_502 : i32
        %parallel_loop3A_504 = arith.constant 0 : i32
        %parallel_loop3A_505 = arith.cmpi sgt, %parallel_loop3A_495, %parallel_loop3A_504 : i32
        %parallel_loop3A_506 = arith.extui %parallel_loop3A_505 : i1 to i32
        %parallel_loop3A_507 = arith.constant 0 : i32
        %parallel_loop3A_508 = arith.cmpi slt, %parallel_loop3A_495, %parallel_loop3A_507 : i32
        %parallel_loop3A_509 = arith.extui %parallel_loop3A_508 : i1 to i32
        %parallel_loop3A_510 = arith.subi %parallel_loop3A_506, %parallel_loop3A_509 : i32
        %parallel_loop3A_511 = arith.cmpi ne, %parallel_loop3A_503, %parallel_loop3A_510 : i32
        %parallel_loop3A_512 = arith.remsi %parallel_loop3A_494, %parallel_loop3A_495 : i32
        %parallel_loop3A_513 = arith.constant 0 : i32
        %parallel_loop3A_514 = arith.cmpi ne, %parallel_loop3A_512, %parallel_loop3A_513 : i32
        %parallel_loop3A_515 = arith.andi %parallel_loop3A_511, %parallel_loop3A_514 : i1
        %parallel_loop3A_516 = arith.constant 1 : i32
        %parallel_loop3A_517 = arith.subi %parallel_loop3A_496, %parallel_loop3A_516 : i32
        %parallel_loop3A_518 = arith.select %parallel_loop3A_515, %parallel_loop3A_517, %parallel_loop3A_496 : i32
        %parallel_loop3A_519 = arith.constant 64 : i32
        %parallel_loop3A_520 = arith.constant 0 : i32
        %parallel_loop3A_521 = arith.cmpi eq, %parallel_loop3A_519, %parallel_loop3A_520 : i32
        %parallel_loop3A_522 = arith.constant 1 : i32
        %parallel_loop3A_523 = arith.select %parallel_loop3A_521, %parallel_loop3A_522, %parallel_loop3A_519 : i32
        %parallel_loop3A_524 = arith.remsi %parallel_loop3A_494, %parallel_loop3A_523 : i32
        %parallel_loop3A_525 = arith.constant 0 : i32
        %parallel_loop3A_526 = arith.cmpi ne, %parallel_loop3A_524, %parallel_loop3A_525 : i32
        %parallel_loop3A_527 = arith.constant 0 : i32
        %parallel_loop3A_528 = arith.cmpi slt, %parallel_loop3A_524, %parallel_loop3A_527 : i32
        %parallel_loop3A_529 = arith.constant 0 : i32
        %parallel_loop3A_530 = arith.cmpi slt, %parallel_loop3A_523, %parallel_loop3A_529 : i32
        %parallel_loop3A_531 = arith.xori %parallel_loop3A_528, %parallel_loop3A_530 : i1
        %parallel_loop3A_532 = arith.andi %parallel_loop3A_531, %parallel_loop3A_526 : i1
        %parallel_loop3A_533 = arith.addi %parallel_loop3A_524, %parallel_loop3A_523 : i32
        %parallel_loop3A_534 = arith.select %parallel_loop3A_532, %parallel_loop3A_533, %parallel_loop3A_524 : i32
        %parallel_loop3A_535 = arith.constant 16 : i32
        %parallel_loop3A_536 = arith.muli %parallel_loop3A_534, %parallel_loop3A_535 : i32
        %parallel_loop3A_537 = arith.addi %mul3A_207, %parallel_loop3A_518 : i32
        %parallel_loop3A_538 = arith.index_cast %parallel_loop3A_537 : i32 to index
        %parallel_loop3A_539 = arith.index_cast %parallel_loop3A_536 : i32 to index
        %parallel_loop3A_540 = tpu.vector_load %arg7[%parallel_loop3A_538, %parallel_loop3A_539] {strides = array<i32>} : memref<64x1024xf32, #tpu.memory_space<vmem>>, vector<1x16xf32>,
        %parallel_loop3A_541 = vector.shape_cast %parallel_loop3A_540 : vector<1x16xf32> to vector<16xf32>
        %parallel_loop3A_542 = arith.constant 0 : i32
        %parallel_loop3A_543 = arith.index_cast %parallel_loop3A_542 : i32 to index
        %parallel_loop3A_544 = arith.index_cast %parallel_loop3A_518 : i32 to index
        %parallel_loop3A_545 = arith.index_cast %parallel_loop3A_536 : i32 to index
        %parallel_loop3A_546 = tpu.vector_load %arg8[%parallel_loop3A_543, %parallel_loop3A_544, %parallel_loop3A_545] {strides = array<i32>} : memref<4x8x1024xf32, #tpu.memory_space<vmem>>, vector<1x1x16xf32>,
        %parallel_loop3A_547 = vector.shape_cast %parallel_loop3A_546 : vector<1x1x16xf32> to vector<16xf32>
        %parallel_loop3A_548 = vector.shape_cast %parallel_loop3A_541 : vector<16xf32> to vector<1x1x16xf32>
        tpu.vector_store %arg8[%parallel_loop3A_543, %parallel_loop3A_544, %parallel_loop3A_545], %parallel_loop3A_548 {add = true, strides = array<i32>} : memref<4x8x1024xf32, #tpu.memory_space<vmem>>, vector<1x1x16xf32>,
      } {sc.loop_unroll_factor = 8 : i64, sc.parallel_access}
      %mul3A_210 = arith.constant 2048 : i32
      %mul3A_211 = arith.muli %select_n3A, %mul3A_210 : i32
      %add3A_212 = arith.addi %mul3A_211, %mul3A_2 : i32
      %mul3A_213 = arith.constant 8 : i32
      %mul3A_214 = arith.muli %select_n3A_205, %mul3A_213 : i32
      %add3A_215 = arith.addi %add3A_212, %mul3A_214 : i32
      %dma_start3A_216 = arith.constant 0 : i32
      %dma_start3A_217 = arith.constant 0 : i32
      %dma_start3A_218 = arith.constant 0 : i32
      %dma_start3A_219 = tpu.memref_slice %arg8[%dma_start3A_216, %dma_start3A_217, %dma_start3A_218] : memref<4x8x1024xf32, #tpu.memory_space<vmem>> -> memref<1x8x1024xf32, #tpu.memory_space<vmem>>
      %dma_start3A_220 = tpu.memref_squeeze %dma_start3A_219 : memref<1x8x1024xf32, #tpu.memory_space<vmem>> -> memref<8x1024xf32, #tpu.memory_space<vmem>>
      %dma_start3A_221 = arith.constant 0 : i32
      %dma_start3A_222 = tpu.memref_slice %arg5[%add3A_215, %dma_start3A_221] : memref<8192x1024xf32, #tpu.memory_space<hbm>> -> memref<8x1024xf32, #tpu.memory_space<hbm>>
      %dma_start3A_223 = arith.constant 0 : i32
      %dma_start3A_224 = tpu.memref_slice %arg5[%add3A_215, %dma_start3A_223] : memref<8192x1024xf32, #tpu.memory_space<hbm>> -> memref<8x1024xf32, #tpu.memory_space<hbm>>
      %dma_start3A_225 = arith.constant 0 : i32
      %dma_start3A_226 = arith.constant 0 : i32
      %dma_start3A_227 = tpu.memref_slice %arg8[%dma_start3A_216, %dma_start3A_225, %dma_start3A_226] : memref<4x8x1024xf32, #tpu.memory_space<vmem>> -> memref<1x8x1024xf32, #tpu.memory_space<vmem>>
      %dma_start3A_228 = tpu.memref_squeeze %dma_start3A_227 : memref<1x8x1024xf32, #tpu.memory_space<vmem>> -> memref<8x1024xf32, #tpu.memory_space<vmem>>
      tpu.enqueue_dma source(%dma_start3A_228 : memref<8x1024xf32, #tpu.memory_space<vmem>>) target(%dma_start3A_224 : memref<8x1024xf32, #tpu.memory_space<hbm>>) target_semaphore(%arg15 : memref<!tpu.dma_semaphore, #tpu.memory_space<semaphore_mem>>)
      %add3A_229 = arith.constant 2 : i32
      %add3A_230 = arith.addi %add3A_164, %add3A_229 : i32
      %add3A_231 = arith.constant 1 : i32
      %add3A_232 = arith.addi %add3A_230, %add3A_231 : i32
      %lt3A_233 = arith.constant 32 : i32
      %lt3A_234 = arith.cmpi slt, %add3A_232, %lt3A_233 : i32
      %convert_element_type3A = arith.extui %lt3A_234 : i1 to i32
      %cond3A = arith.constant 0 : i32
      %cond3A_235 = arith.cmpi ne, %convert_element_type3A, %cond3A : i32
      scf.if %cond3A_235 {
        %ge3A = arith.constant 4 : i32
        %ge3A_494 = arith.cmpi sge, %add3A_232, %ge3A : i32
        %convert_element_type3A_495 = arith.extui %ge3A_494 : i1 to i32
        %cond3A_496 = arith.constant 0 : i32
        %cond3A_497 = arith.cmpi ne, %convert_element_type3A_495, %cond3A_496 : i32
        scf.if %cond3A_497 {
          %dma_wait3A_509 = arith.constant 3 : i32
          %dma_wait3A_510 = arith.constant 0 : i32
          %dma_wait3A_511 = arith.constant 0 : i32
          %dma_wait3A_512 = tpu.memref_slice %arg8[%dma_wait3A_509, %dma_wait3A_510, %dma_wait3A_511] : memref<4x8x1024xf32, #tpu.memory_space<vmem>> -> memref<1x8x1024xf32, #tpu.memory_space<vmem>>
          %dma_wait3A_513 = tpu.memref_squeeze %dma_wait3A_512 : memref<1x8x1024xf32, #tpu.memory_space<vmem>> -> memref<8x1024xf32, #tpu.memory_space<vmem>>
          %dma_wait3A_514 = arith.constant 0 : i32
          %dma_wait3A_515 = arith.constant 0 : i32
          %dma_wait3A_516 = tpu.memref_slice %arg5[%dma_wait3A_514, %dma_wait3A_515] : memref<8192x1024xf32, #tpu.memory_space<hbm>> -> memref<8x1024xf32, #tpu.memory_space<hbm>>
          %dma_wait3A_517 = arith.constant 0 : i32
          %dma_wait3A_518 = arith.constant 0 : i32
          %dma_wait3A_519 = tpu.memref_slice %arg5[%dma_wait3A_517, %dma_wait3A_518] : memref<8192x1024xf32, #tpu.memory_space<hbm>> -> memref<8x1024xf32, #tpu.memory_space<hbm>>
          %dma_wait3A_520 = arith.constant 0 : i32
          %dma_wait3A_521 = arith.constant 0 : i32
          %dma_wait3A_522 = tpu.memref_slice %arg8[%dma_wait3A_509, %dma_wait3A_520, %dma_wait3A_521] : memref<4x8x1024xf32, #tpu.memory_space<vmem>> -> memref<1x8x1024xf32, #tpu.memory_space<vmem>>
          %dma_wait3A_523 = tpu.memref_squeeze %dma_wait3A_522 : memref<1x8x1024xf32, #tpu.memory_space<vmem>> -> memref<8x1024xf32, #tpu.memory_space<vmem>>
          tpu.wait_dma2 semaphore(%arg18 : memref<!tpu.dma_semaphore, #tpu.memory_space<semaphore_mem>>) src(%dma_wait3A_523 : memref<8x1024xf32, #tpu.memory_space<vmem>>) dst(%dma_wait3A_519 : memref<8x1024xf32, #tpu.memory_space<hbm>>)
        } else {
        }
        %mul3A_498 = arith.constant 8 : i32
        %mul3A_499 = arith.muli %add3A_232, %mul3A_498 : i32
        %dma_start3A_500 = arith.constant 3 : i32
        %dma_start3A_501 = arith.constant 0 : i32
        %dma_start3A_502 = arith.constant 0 : i32
        %dma_start3A_503 = tpu.memref_slice %arg8[%dma_start3A_500, %dma_start3A_501, %dma_start3A_502] : memref<4x8x1024xf32, #tpu.memory_space<vmem>> -> memref<1x8x1024xf32, #tpu.memory_space<vmem>>
        %dma_start3A_504 = tpu.memref_squeeze %dma_start3A_503 : memref<1x8x1024xf32, #tpu.memory_space<vmem>> -> memref<8x1024xf32, #tpu.memory_space<vmem>>
        %dma_start3A_505 = tpu.memref_slice %arg6[%mul3A_499] : memref<256xi32, #tpu.memory_space<vmem>> -> memref<8xi32, #tpu.memory_space<vmem>>
        %dma_start3A_506 = arith.constant 0 : i32
        %dma_start3A_507 = arith.constant 0 : i32
        %dma_start3A_508 = tpu.memref_slice %arg3[%dma_start3A_506, %dma_start3A_507] : memref<100000x1024xf32, #tpu.memory_space<hbm>> -> memref<100000x1024xf32, #tpu.memory_space<hbm>>
        tpu.enqueue_indirect_dma source(%dma_start3A_508 : memref<100000x1024xf32, #tpu.memory_space<hbm>>) target(%dma_start3A_504 : memref<8x1024xf32, #tpu.memory_space<vmem>>) offsets(%dma_start3A_505 : memref<8xi32, #tpu.memory_space<vmem>>) semaphore(%arg14 : memref<!tpu.dma_semaphore, #tpu.memory_space<semaphore_mem>>)
      } else {
      }
      %add3A_236 = arith.constant 1 : i32
      %add3A_237 = arith.addi %mul3A_162, %add3A_236 : i32
      %mul3A_238 = arith.constant 8 : i32
      %mul3A_239 = arith.muli %add3A_237, %mul3A_238 : i32
      %dma_wait3A_240 = arith.constant 1 : i32
      %dma_wait3A_241 = arith.constant 0 : i32
      %dma_wait3A_242 = arith.constant 0 : i32
      %dma_wait3A_243 = tpu.memref_slice %arg8[%dma_wait3A_240, %dma_wait3A_241, %dma_wait3A_242] : memref<4x8x1024xf32, #tpu.memory_space<vmem>> -> memref<1x8x1024xf32, #tpu.memory_space<vmem>>
      %dma_wait3A_244 = tpu.memref_squeeze %dma_wait3A_243 : memref<1x8x1024xf32, #tpu.memory_space<vmem>> -> memref<8x1024xf32, #tpu.memory_space<vmem>>
      %dma_wait3A_245 = tpu.memref_slice %arg6[%mul3A_239] : memref<256xi32, #tpu.memory_space<vmem>> -> memref<8xi32, #tpu.memory_space<vmem>>
      %dma_wait3A_246 = arith.constant 0 : i32
      %dma_wait3A_247 = arith.constant 0 : i32
      %dma_wait3A_248 = tpu.memref_slice %arg3[%dma_wait3A_246, %dma_wait3A_247] : memref<100000x1024xf32, #tpu.memory_space<hbm>> -> memref<100000x1024xf32, #tpu.memory_space<hbm>>
      tpu.wait_indirect_dma semaphore(%arg12 : memref<!tpu.dma_semaphore, #tpu.memory_space<semaphore_mem>>) src(%dma_wait3A_248 : memref<100000x1024xf32, #tpu.memory_space<hbm>>) dst(%dma_wait3A_244 : memref<8x1024xf32, #tpu.memory_space<vmem>>)
      %jit3A_249 = arith.constant 8 : i32
      %div3A_250 = arith.divsi %add3A_237, %jit3A_249 : i32
      %sign3A_251 = arith.constant 0 : i32
      %sign3A_252 = arith.cmpi sgt, %add3A_237, %sign3A_251 : i32
      %sign3A_253 = arith.extui %sign3A_252 : i1 to i32
      %sign3A_254 = arith.constant 0 : i32
      %sign3A_255 = arith.cmpi slt, %add3A_237, %sign3A_254 : i32
      %sign3A_256 = arith.extui %sign3A_255 : i1 to i32
      %sign3A_257 = arith.subi %sign3A_253, %sign3A_256 : i32
      %sign3A_258 = arith.constant 0 : i32
      %sign3A_259 = arith.cmpi sgt, %jit3A_249, %sign3A_258 : i32
      %sign3A_260 = arith.extui %sign3A_259 : i1 to i32
      %sign3A_261 = arith.constant 0 : i32
      %sign3A_262 = arith.cmpi slt, %jit3A_249, %sign3A_261 : i32
      %sign3A_263 = arith.extui %sign3A_262 : i1 to i32
      %sign3A_264 = arith.subi %sign3A_260, %sign3A_263 : i32
      %ne3A_265 = arith.cmpi ne, %sign3A_257, %sign3A_264 : i32
      %rem3A_266 = arith.remsi %add3A_237, %jit3A_249 : i32
      %ne3A_267 = arith.constant 0 : i32
      %ne3A_268 = arith.cmpi ne, %rem3A_266, %ne3A_267 : i32
      %and3A_269 = arith.andi %ne3A_265, %ne3A_268 : i1
      %sub3A_270 = arith.constant 1 : i32
      %sub3A_271 = arith.subi %div3A_250, %sub3A_270 : i32
      %select_n3A_272 = arith.select %and3A_269, %sub3A_271, %div3A_250 : i32
      %jit3A_273 = arith.constant 8 : i32
      %eq3A_274 = arith.constant 0 : i32
      %eq3A_275 = arith.cmpi eq, %jit3A_273, %eq3A_274 : i32
      %jit3A_276 = arith.constant 1 : i32
      %select_n3A_277 = arith.select %eq3A_275, %jit3A_276, %jit3A_273 : i32
      %rem3A_278 = arith.remsi %add3A_237, %select_n3A_277 : i32
      %ne3A_279 = arith.constant 0 : i32
      %ne3A_280 = arith.cmpi ne, %rem3A_278, %ne3A_279 : i32
      %lt3A_281 = arith.constant 0 : i32
      %lt3A_282 = arith.cmpi slt, %rem3A_278, %lt3A_281 : i32
      %lt3A_283 = arith.constant 0 : i32
      %lt3A_284 = arith.cmpi slt, %select_n3A_277, %lt3A_283 : i32
      %ne3A_285 = arith.xori %lt3A_282, %lt3A_284 : i1
      %and3A_286 = arith.andi %ne3A_285, %ne3A_280 : i1
      %add3A_287 = arith.addi %rem3A_278, %select_n3A_277 : i32
      %select_n3A_288 = arith.select %and3A_286, %add3A_287, %rem3A_278 : i32
      %mul3A_289 = arith.constant 8 : i32
      %mul3A_290 = arith.muli %select_n3A_288, %mul3A_289 : i32
      %parallel_loop3A_291 = arith.constant 0 : i32
      %parallel_loop3A_292 = arith.constant 512 : i32
      %parallel_loop3A_293 = arith.constant 1 : i32
      scf.for %parallel_loop3A_494 = %parallel_loop3A_291 to %parallel_loop3A_292 step %parallel_loop3A_293  : i32 {
        %parallel_loop3A_495 = arith.constant 64 : i32
        %parallel_loop3A_496 = arith.divsi %parallel_loop3A_494, %parallel_loop3A_495 : i32
        %parallel_loop3A_497 = arith.constant 0 : i32
        %parallel_loop3A_498 = arith.cmpi sgt, %parallel_loop3A_494, %parallel_loop3A_497 : i32
        %parallel_loop3A_499 = arith.extui %parallel_loop3A_498 : i1 to i32
        %parallel_loop3A_500 = arith.constant 0 : i32
        %parallel_loop3A_501 = arith.cmpi slt, %parallel_loop3A_494, %parallel_loop3A_500 : i32
        %parallel_loop3A_502 = arith.extui %parallel_loop3A_501 : i1 to i32
        %parallel_loop3A_503 = arith.subi %parallel_loop3A_499, %parallel_loop3A_502 : i32
        %parallel_loop3A_504 = arith.constant 0 : i32
        %parallel_loop3A_505 = arith.cmpi sgt, %parallel_loop3A_495, %parallel_loop3A_504 : i32
        %parallel_loop3A_506 = arith.extui %parallel_loop3A_505 : i1 to i32
        %parallel_loop3A_507 = arith.constant 0 : i32
        %parallel_loop3A_508 = arith.cmpi slt, %parallel_loop3A_495, %parallel_loop3A_507 : i32
        %parallel_loop3A_509 = arith.extui %parallel_loop3A_508 : i1 to i32
        %parallel_loop3A_510 = arith.subi %parallel_loop3A_506, %parallel_loop3A_509 : i32
        %parallel_loop3A_511 = arith.cmpi ne, %parallel_loop3A_503, %parallel_loop3A_510 : i32
        %parallel_loop3A_512 = arith.remsi %parallel_loop3A_494, %parallel_loop3A_495 : i32
        %parallel_loop3A_513 = arith.constant 0 : i32
        %parallel_loop3A_514 = arith.cmpi ne, %parallel_loop3A_512, %parallel_loop3A_513 : i32
        %parallel_loop3A_515 = arith.andi %parallel_loop3A_511, %parallel_loop3A_514 : i1
        %parallel_loop3A_516 = arith.constant 1 : i32
        %parallel_loop3A_517 = arith.subi %parallel_loop3A_496, %parallel_loop3A_516 : i32
        %parallel_loop3A_518 = arith.select %parallel_loop3A_515, %parallel_loop3A_517, %parallel_loop3A_496 : i32
        %parallel_loop3A_519 = arith.constant 64 : i32
        %parallel_loop3A_520 = arith.constant 0 : i32
        %parallel_loop3A_521 = arith.cmpi eq, %parallel_loop3A_519, %parallel_loop3A_520 : i32
        %parallel_loop3A_522 = arith.constant 1 : i32
        %parallel_loop3A_523 = arith.select %parallel_loop3A_521, %parallel_loop3A_522, %parallel_loop3A_519 : i32
        %parallel_loop3A_524 = arith.remsi %parallel_loop3A_494, %parallel_loop3A_523 : i32
        %parallel_loop3A_525 = arith.constant 0 : i32
        %parallel_loop3A_526 = arith.cmpi ne, %parallel_loop3A_524, %parallel_loop3A_525 : i32
        %parallel_loop3A_527 = arith.constant 0 : i32
        %parallel_loop3A_528 = arith.cmpi slt, %parallel_loop3A_524, %parallel_loop3A_527 : i32
        %parallel_loop3A_529 = arith.constant 0 : i32
        %parallel_loop3A_530 = arith.cmpi slt, %parallel_loop3A_523, %parallel_loop3A_529 : i32
        %parallel_loop3A_531 = arith.xori %parallel_loop3A_528, %parallel_loop3A_530 : i1
        %parallel_loop3A_532 = arith.andi %parallel_loop3A_531, %parallel_loop3A_526 : i1
        %parallel_loop3A_533 = arith.addi %parallel_loop3A_524, %parallel_loop3A_523 : i32
        %parallel_loop3A_534 = arith.select %parallel_loop3A_532, %parallel_loop3A_533, %parallel_loop3A_524 : i32
        %parallel_loop3A_535 = arith.constant 16 : i32
        %parallel_loop3A_536 = arith.muli %parallel_loop3A_534, %parallel_loop3A_535 : i32
        %parallel_loop3A_537 = arith.addi %mul3A_290, %parallel_loop3A_518 : i32
        %parallel_loop3A_538 = arith.index_cast %parallel_loop3A_537 : i32 to index
        %parallel_loop3A_539 = arith.index_cast %parallel_loop3A_536 : i32 to index
        %parallel_loop3A_540 = tpu.vector_load %arg7[%parallel_loop3A_538, %parallel_loop3A_539] {strides = array<i32>} : memref<64x1024xf32, #tpu.memory_space<vmem>>, vector<1x16xf32>,
        %parallel_loop3A_541 = vector.shape_cast %parallel_loop3A_540 : vector<1x16xf32> to vector<16xf32>
        %parallel_loop3A_542 = arith.constant 1 : i32
        %parallel_loop3A_543 = arith.index_cast %parallel_loop3A_542 : i32 to index
        %parallel_loop3A_544 = arith.index_cast %parallel_loop3A_518 : i32 to index
        %parallel_loop3A_545 = arith.index_cast %parallel_loop3A_536 : i32 to index
        %parallel_loop3A_546 = tpu.vector_load %arg8[%parallel_loop3A_543, %parallel_loop3A_544, %parallel_loop3A_545] {strides = array<i32>} : memref<4x8x1024xf32, #tpu.memory_space<vmem>>, vector<1x1x16xf32>,
        %parallel_loop3A_547 = vector.shape_cast %parallel_loop3A_546 : vector<1x1x16xf32> to vector<16xf32>
        %parallel_loop3A_548 = vector.shape_cast %parallel_loop3A_541 : vector<16xf32> to vector<1x1x16xf32>
        tpu.vector_store %arg8[%parallel_loop3A_543, %parallel_loop3A_544, %parallel_loop3A_545], %parallel_loop3A_548 {add = true, strides = array<i32>} : memref<4x8x1024xf32, #tpu.memory_space<vmem>>, vector<1x1x16xf32>,
      } {sc.loop_unroll_factor = 8 : i64, sc.parallel_access}
      %mul3A_294 = arith.constant 2048 : i32
      %mul3A_295 = arith.muli %select_n3A_272, %mul3A_294 : i32
      %add3A_296 = arith.addi %mul3A_295, %mul3A_2 : i32
      %mul3A_297 = arith.constant 8 : i32
      %mul3A_298 = arith.muli %select_n3A_288, %mul3A_297 : i32
      %add3A_299 = arith.addi %add3A_296, %mul3A_298 : i32
      %dma_start3A_300 = arith.constant 1 : i32
      %dma_start3A_301 = arith.constant 0 : i32
      %dma_start3A_302 = arith.constant 0 : i32
      %dma_start3A_303 = tpu.memref_slice %arg8[%dma_start3A_300, %dma_start3A_301, %dma_start3A_302] : memref<4x8x1024xf32, #tpu.memory_space<vmem>> -> memref<1x8x1024xf32, #tpu.memory_space<vmem>>
      %dma_start3A_304 = tpu.memref_squeeze %dma_start3A_303 : memref<1x8x1024xf32, #tpu.memory_space<vmem>> -> memref<8x1024xf32, #tpu.memory_space<vmem>>
      %dma_start3A_305 = arith.constant 0 : i32
      %dma_start3A_306 = tpu.memref_slice %arg5[%add3A_299, %dma_start3A_305] : memref<8192x1024xf32, #tpu.memory_space<hbm>> -> memref<8x1024xf32, #tpu.memory_space<hbm>>
      %dma_start3A_307 = arith.constant 0 : i32
      %dma_start3A_308 = tpu.memref_slice %arg5[%add3A_299, %dma_start3A_307] : memref<8192x1024xf32, #tpu.memory_space<hbm>> -> memref<8x1024xf32, #tpu.memory_space<hbm>>
      %dma_start3A_309 = arith.constant 0 : i32
      %dma_start3A_310 = arith.constant 0 : i32
      %dma_start3A_311 = tpu.memref_slice %arg8[%dma_start3A_300, %dma_start3A_309, %dma_start3A_310] : memref<4x8x1024xf32, #tpu.memory_space<vmem>> -> memref<1x8x1024xf32, #tpu.memory_space<vmem>>
      %dma_start3A_312 = tpu.memref_squeeze %dma_start3A_311 : memref<1x8x1024xf32, #tpu.memory_space<vmem>> -> memref<8x1024xf32, #tpu.memory_space<vmem>>
      tpu.enqueue_dma source(%dma_start3A_312 : memref<8x1024xf32, #tpu.memory_space<vmem>>) target(%dma_start3A_308 : memref<8x1024xf32, #tpu.memory_space<hbm>>) target_semaphore(%arg16 : memref<!tpu.dma_semaphore, #tpu.memory_space<semaphore_mem>>)
      %add3A_313 = arith.constant 2 : i32
      %add3A_314 = arith.addi %add3A_237, %add3A_313 : i32
      %add3A_315 = arith.constant 1 : i32
      %add3A_316 = arith.addi %add3A_314, %add3A_315 : i32
      %lt3A_317 = arith.constant 32 : i32
      %lt3A_318 = arith.cmpi slt, %add3A_316, %lt3A_317 : i32
      %convert_element_type3A_319 = arith.extui %lt3A_318 : i1 to i32
      %cond3A_320 = arith.constant 0 : i32
      %cond3A_321 = arith.cmpi ne, %convert_element_type3A_319, %cond3A_320 : i32
      scf.if %cond3A_321 {
        %ge3A = arith.constant 4 : i32
        %ge3A_494 = arith.cmpi sge, %add3A_316, %ge3A : i32
        %convert_element_type3A_495 = arith.extui %ge3A_494 : i1 to i32
        %cond3A_496 = arith.constant 0 : i32
        %cond3A_497 = arith.cmpi ne, %convert_element_type3A_495, %cond3A_496 : i32
        scf.if %cond3A_497 {
          %dma_wait3A_509 = arith.constant 0 : i32
          %dma_wait3A_510 = arith.constant 0 : i32
          %dma_wait3A_511 = arith.constant 0 : i32
          %dma_wait3A_512 = tpu.memref_slice %arg8[%dma_wait3A_509, %dma_wait3A_510, %dma_wait3A_511] : memref<4x8x1024xf32, #tpu.memory_space<vmem>> -> memref<1x8x1024xf32, #tpu.memory_space<vmem>>
          %dma_wait3A_513 = tpu.memref_squeeze %dma_wait3A_512 : memref<1x8x1024xf32, #tpu.memory_space<vmem>> -> memref<8x1024xf32, #tpu.memory_space<vmem>>
          %dma_wait3A_514 = arith.constant 0 : i32
          %dma_wait3A_515 = arith.constant 0 : i32
          %dma_wait3A_516 = tpu.memref_slice %arg5[%dma_wait3A_514, %dma_wait3A_515] : memref<8192x1024xf32, #tpu.memory_space<hbm>> -> memref<8x1024xf32, #tpu.memory_space<hbm>>
          %dma_wait3A_517 = arith.constant 0 : i32
          %dma_wait3A_518 = arith.constant 0 : i32
          %dma_wait3A_519 = tpu.memref_slice %arg5[%dma_wait3A_517, %dma_wait3A_518] : memref<8192x1024xf32, #tpu.memory_space<hbm>> -> memref<8x1024xf32, #tpu.memory_space<hbm>>
          %dma_wait3A_520 = arith.constant 0 : i32
          %dma_wait3A_521 = arith.constant 0 : i32
          %dma_wait3A_522 = tpu.memref_slice %arg8[%dma_wait3A_509, %dma_wait3A_520, %dma_wait3A_521] : memref<4x8x1024xf32, #tpu.memory_space<vmem>> -> memref<1x8x1024xf32, #tpu.memory_space<vmem>>
          %dma_wait3A_523 = tpu.memref_squeeze %dma_wait3A_522 : memref<1x8x1024xf32, #tpu.memory_space<vmem>> -> memref<8x1024xf32, #tpu.memory_space<vmem>>
          tpu.wait_dma2 semaphore(%arg15 : memref<!tpu.dma_semaphore, #tpu.memory_space<semaphore_mem>>) src(%dma_wait3A_523 : memref<8x1024xf32, #tpu.memory_space<vmem>>) dst(%dma_wait3A_519 : memref<8x1024xf32, #tpu.memory_space<hbm>>)
        } else {
        }
        %mul3A_498 = arith.constant 8 : i32
        %mul3A_499 = arith.muli %add3A_316, %mul3A_498 : i32
        %dma_start3A_500 = arith.constant 0 : i32
        %dma_start3A_501 = arith.constant 0 : i32
        %dma_start3A_502 = arith.constant 0 : i32
        %dma_start3A_503 = tpu.memref_slice %arg8[%dma_start3A_500, %dma_start3A_501, %dma_start3A_502] : memref<4x8x1024xf32, #tpu.memory_space<vmem>> -> memref<1x8x1024xf32, #tpu.memory_space<vmem>>
        %dma_start3A_504 = tpu.memref_squeeze %dma_start3A_503 : memref<1x8x1024xf32, #tpu.memory_space<vmem>> -> memref<8x1024xf32, #tpu.memory_space<vmem>>
        %dma_start3A_505 = tpu.memref_slice %arg6[%mul3A_499] : memref<256xi32, #tpu.memory_space<vmem>> -> memref<8xi32, #tpu.memory_space<vmem>>
        %dma_start3A_506 = arith.constant 0 : i32
        %dma_start3A_507 = arith.constant 0 : i32
        %dma_start3A_508 = tpu.memref_slice %arg3[%dma_start3A_506, %dma_start3A_507] : memref<100000x1024xf32, #tpu.memory_space<hbm>> -> memref<100000x1024xf32, #tpu.memory_space<hbm>>
        tpu.enqueue_indirect_dma source(%dma_start3A_508 : memref<100000x1024xf32, #tpu.memory_space<hbm>>) target(%dma_start3A_504 : memref<8x1024xf32, #tpu.memory_space<vmem>>) offsets(%dma_start3A_505 : memref<8xi32, #tpu.memory_space<vmem>>) semaphore(%arg11 : memref<!tpu.dma_semaphore, #tpu.memory_space<semaphore_mem>>)
      } else {
      }
      %add3A_322 = arith.constant 2 : i32
      %add3A_323 = arith.addi %mul3A_162, %add3A_322 : i32
      %mul3A_324 = arith.constant 8 : i32
      %mul3A_325 = arith.muli %add3A_323, %mul3A_324 : i32
      %dma_wait3A_326 = arith.constant 2 : i32
      %dma_wait3A_327 = arith.constant 0 : i32
      %dma_wait3A_328 = arith.constant 0 : i32
      %dma_wait3A_329 = tpu.memref_slice %arg8[%dma_wait3A_326, %dma_wait3A_327, %dma_wait3A_328] : memref<4x8x1024xf32, #tpu.memory_space<vmem>> -> memref<1x8x1024xf32, #tpu.memory_space<vmem>>
      %dma_wait3A_330 = tpu.memref_squeeze %dma_wait3A_329 : memref<1x8x1024xf32, #tpu.memory_space<vmem>> -> memref<8x1024xf32, #tpu.memory_space<vmem>>
      %dma_wait3A_331 = tpu.memref_slice %arg6[%mul3A_325] : memref<256xi32, #tpu.memory_space<vmem>> -> memref<8xi32, #tpu.memory_space<vmem>>
      %dma_wait3A_332 = arith.constant 0 : i32
      %dma_wait3A_333 = arith.constant 0 : i32
      %dma_wait3A_334 = tpu.memref_slice %arg3[%dma_wait3A_332, %dma_wait3A_333] : memref<100000x1024xf32, #tpu.memory_space<hbm>> -> memref<100000x1024xf32, #tpu.memory_space<hbm>>
      tpu.wait_indirect_dma semaphore(%arg13 : memref<!tpu.dma_semaphore, #tpu.memory_space<semaphore_mem>>) src(%dma_wait3A_334 : memref<100000x1024xf32, #tpu.memory_space<hbm>>) dst(%dma_wait3A_330 : memref<8x1024xf32, #tpu.memory_space<vmem>>)
      %jit3A_335 = arith.constant 8 : i32
      %div3A_336 = arith.divsi %add3A_323, %jit3A_335 : i32
      %sign3A_337 = arith.constant 0 : i32
      %sign3A_338 = arith.cmpi sgt, %add3A_323, %sign3A_337 : i32
      %sign3A_339 = arith.extui %sign3A_338 : i1 to i32
      %sign3A_340 = arith.constant 0 : i32
      %sign3A_341 = arith.cmpi slt, %add3A_323, %sign3A_340 : i32
      %sign3A_342 = arith.extui %sign3A_341 : i1 to i32
      %sign3A_343 = arith.subi %sign3A_339, %sign3A_342 : i32
      %sign3A_344 = arith.constant 0 : i32
      %sign3A_345 = arith.cmpi sgt, %jit3A_335, %sign3A_344 : i32
      %sign3A_346 = arith.extui %sign3A_345 : i1 to i32
      %sign3A_347 = arith.constant 0 : i32
      %sign3A_348 = arith.cmpi slt, %jit3A_335, %sign3A_347 : i32
      %sign3A_349 = arith.extui %sign3A_348 : i1 to i32
      %sign3A_350 = arith.subi %sign3A_346, %sign3A_349 : i32
      %ne3A_351 = arith.cmpi ne, %sign3A_343, %sign3A_350 : i32
      %rem3A_352 = arith.remsi %add3A_323, %jit3A_335 : i32
      %ne3A_353 = arith.constant 0 : i32
      %ne3A_354 = arith.cmpi ne, %rem3A_352, %ne3A_353 : i32
      %and3A_355 = arith.andi %ne3A_351, %ne3A_354 : i1
      %sub3A_356 = arith.constant 1 : i32
      %sub3A_357 = arith.subi %div3A_336, %sub3A_356 : i32
      %select_n3A_358 = arith.select %and3A_355, %sub3A_357, %div3A_336 : i32
      %jit3A_359 = arith.constant 8 : i32
      %eq3A_360 = arith.constant 0 : i32
      %eq3A_361 = arith.cmpi eq, %jit3A_359, %eq3A_360 : i32
      %jit3A_362 = arith.constant 1 : i32
      %select_n3A_363 = arith.select %eq3A_361, %jit3A_362, %jit3A_359 : i32
      %rem3A_364 = arith.remsi %add3A_323, %select_n3A_363 : i32
      %ne3A_365 = arith.constant 0 : i32
      %ne3A_366 = arith.cmpi ne, %rem3A_364, %ne3A_365 : i32
      %lt3A_367 = arith.constant 0 : i32
      %lt3A_368 = arith.cmpi slt, %rem3A_364, %lt3A_367 : i32
      %lt3A_369 = arith.constant 0 : i32
      %lt3A_370 = arith.cmpi slt, %select_n3A_363, %lt3A_369 : i32
      %ne3A_371 = arith.xori %lt3A_368, %lt3A_370 : i1
      %and3A_372 = arith.andi %ne3A_371, %ne3A_366 : i1
      %add3A_373 = arith.addi %rem3A_364, %select_n3A_363 : i32
      %select_n3A_374 = arith.select %and3A_372, %add3A_373, %rem3A_364 : i32
      %mul3A_375 = arith.constant 8 : i32
      %mul3A_376 = arith.muli %select_n3A_374, %mul3A_375 : i32
      %parallel_loop3A_377 = arith.constant 0 : i32
      %parallel_loop3A_378 = arith.constant 512 : i32
      %parallel_loop3A_379 = arith.constant 1 : i32
      scf.for %parallel_loop3A_494 = %parallel_loop3A_377 to %parallel_loop3A_378 step %parallel_loop3A_379  : i32 {
        %parallel_loop3A_495 = arith.constant 64 : i32
        %parallel_loop3A_496 = arith.divsi %parallel_loop3A_494, %parallel_loop3A_495 : i32
        %parallel_loop3A_497 = arith.constant 0 : i32
        %parallel_loop3A_498 = arith.cmpi sgt, %parallel_loop3A_494, %parallel_loop3A_497 : i32
        %parallel_loop3A_499 = arith.extui %parallel_loop3A_498 : i1 to i32
        %parallel_loop3A_500 = arith.constant 0 : i32
        %parallel_loop3A_501 = arith.cmpi slt, %parallel_loop3A_494, %parallel_loop3A_500 : i32
        %parallel_loop3A_502 = arith.extui %parallel_loop3A_501 : i1 to i32
        %parallel_loop3A_503 = arith.subi %parallel_loop3A_499, %parallel_loop3A_502 : i32
        %parallel_loop3A_504 = arith.constant 0 : i32
        %parallel_loop3A_505 = arith.cmpi sgt, %parallel_loop3A_495, %parallel_loop3A_504 : i32
        %parallel_loop3A_506 = arith.extui %parallel_loop3A_505 : i1 to i32
        %parallel_loop3A_507 = arith.constant 0 : i32
        %parallel_loop3A_508 = arith.cmpi slt, %parallel_loop3A_495, %parallel_loop3A_507 : i32
        %parallel_loop3A_509 = arith.extui %parallel_loop3A_508 : i1 to i32
        %parallel_loop3A_510 = arith.subi %parallel_loop3A_506, %parallel_loop3A_509 : i32
        %parallel_loop3A_511 = arith.cmpi ne, %parallel_loop3A_503, %parallel_loop3A_510 : i32
        %parallel_loop3A_512 = arith.remsi %parallel_loop3A_494, %parallel_loop3A_495 : i32
        %parallel_loop3A_513 = arith.constant 0 : i32
        %parallel_loop3A_514 = arith.cmpi ne, %parallel_loop3A_512, %parallel_loop3A_513 : i32
        %parallel_loop3A_515 = arith.andi %parallel_loop3A_511, %parallel_loop3A_514 : i1
        %parallel_loop3A_516 = arith.constant 1 : i32
        %parallel_loop3A_517 = arith.subi %parallel_loop3A_496, %parallel_loop3A_516 : i32
        %parallel_loop3A_518 = arith.select %parallel_loop3A_515, %parallel_loop3A_517, %parallel_loop3A_496 : i32
        %parallel_loop3A_519 = arith.constant 64 : i32
        %parallel_loop3A_520 = arith.constant 0 : i32
        %parallel_loop3A_521 = arith.cmpi eq, %parallel_loop3A_519, %parallel_loop3A_520 : i32
        %parallel_loop3A_522 = arith.constant 1 : i32
        %parallel_loop3A_523 = arith.select %parallel_loop3A_521, %parallel_loop3A_522, %parallel_loop3A_519 : i32
        %parallel_loop3A_524 = arith.remsi %parallel_loop3A_494, %parallel_loop3A_523 : i32
        %parallel_loop3A_525 = arith.constant 0 : i32
        %parallel_loop3A_526 = arith.cmpi ne, %parallel_loop3A_524, %parallel_loop3A_525 : i32
        %parallel_loop3A_527 = arith.constant 0 : i32
        %parallel_loop3A_528 = arith.cmpi slt, %parallel_loop3A_524, %parallel_loop3A_527 : i32
        %parallel_loop3A_529 = arith.constant 0 : i32
        %parallel_loop3A_530 = arith.cmpi slt, %parallel_loop3A_523, %parallel_loop3A_529 : i32
        %parallel_loop3A_531 = arith.xori %parallel_loop3A_528, %parallel_loop3A_530 : i1
        %parallel_loop3A_532 = arith.andi %parallel_loop3A_531, %parallel_loop3A_526 : i1
        %parallel_loop3A_533 = arith.addi %parallel_loop3A_524, %parallel_loop3A_523 : i32
        %parallel_loop3A_534 = arith.select %parallel_loop3A_532, %parallel_loop3A_533, %parallel_loop3A_524 : i32
        %parallel_loop3A_535 = arith.constant 16 : i32
        %parallel_loop3A_536 = arith.muli %parallel_loop3A_534, %parallel_loop3A_535 : i32
        %parallel_loop3A_537 = arith.addi %mul3A_376, %parallel_loop3A_518 : i32
        %parallel_loop3A_538 = arith.index_cast %parallel_loop3A_537 : i32 to index
        %parallel_loop3A_539 = arith.index_cast %parallel_loop3A_536 : i32 to index
        %parallel_loop3A_540 = tpu.vector_load %arg7[%parallel_loop3A_538, %parallel_loop3A_539] {strides = array<i32>} : memref<64x1024xf32, #tpu.memory_space<vmem>>, vector<1x16xf32>,
        %parallel_loop3A_541 = vector.shape_cast %parallel_loop3A_540 : vector<1x16xf32> to vector<16xf32>
        %parallel_loop3A_542 = arith.constant 2 : i32
        %parallel_loop3A_543 = arith.index_cast %parallel_loop3A_542 : i32 to index
        %parallel_loop3A_544 = arith.index_cast %parallel_loop3A_518 : i32 to index
        %parallel_loop3A_545 = arith.index_cast %parallel_loop3A_536 : i32 to index
        %parallel_loop3A_546 = tpu.vector_load %arg8[%parallel_loop3A_543, %parallel_loop3A_544, %parallel_loop3A_545] {strides = array<i32>} : memref<4x8x1024xf32, #tpu.memory_space<vmem>>, vector<1x1x16xf32>,
        %parallel_loop3A_547 = vector.shape_cast %parallel_loop3A_546 : vector<1x1x16xf32> to vector<16xf32>
        %parallel_loop3A_548 = vector.shape_cast %parallel_loop3A_541 : vector<16xf32> to vector<1x1x16xf32>
        tpu.vector_store %arg8[%parallel_loop3A_543, %parallel_loop3A_544, %parallel_loop3A_545], %parallel_loop3A_548 {add = true, strides = array<i32>} : memref<4x8x1024xf32, #tpu.memory_space<vmem>>, vector<1x1x16xf32>,
      } {sc.loop_unroll_factor = 8 : i64, sc.parallel_access}
      %mul3A_380 = arith.constant 2048 : i32
      %mul3A_381 = arith.muli %select_n3A_358, %mul3A_380 : i32
      %add3A_382 = arith.addi %mul3A_381, %mul3A_2 : i32
      %mul3A_383 = arith.constant 8 : i32
      %mul3A_384 = arith.muli %select_n3A_374, %mul3A_383 : i32
      %add3A_385 = arith.addi %add3A_382, %mul3A_384 : i32
      %dma_start3A_386 = arith.constant 2 : i32
      %dma_start3A_387 = arith.constant 0 : i32
      %dma_start3A_388 = arith.constant 0 : i32
      %dma_start3A_389 = tpu.memref_slice %arg8[%dma_start3A_386, %dma_start3A_387, %dma_start3A_388] : memref<4x8x1024xf32, #tpu.memory_space<vmem>> -> memref<1x8x1024xf32, #tpu.memory_space<vmem>>
      %dma_start3A_390 = tpu.memref_squeeze %dma_start3A_389 : memref<1x8x1024xf32, #tpu.memory_space<vmem>> -> memref<8x1024xf32, #tpu.memory_space<vmem>>
      %dma_start3A_391 = arith.constant 0 : i32
      %dma_start3A_392 = tpu.memref_slice %arg5[%add3A_385, %dma_start3A_391] : memref<8192x1024xf32, #tpu.memory_space<hbm>> -> memref<8x1024xf32, #tpu.memory_space<hbm>>
      %dma_start3A_393 = arith.constant 0 : i32
      %dma_start3A_394 = tpu.memref_slice %arg5[%add3A_385, %dma_start3A_393] : memref<8192x1024xf32, #tpu.memory_space<hbm>> -> memref<8x1024xf32, #tpu.memory_space<hbm>>
      %dma_start3A_395 = arith.constant 0 : i32
      %dma_start3A_396 = arith.constant 0 : i32
      %dma_start3A_397 = tpu.memref_slice %arg8[%dma_start3A_386, %dma_start3A_395, %dma_start3A_396] : memref<4x8x1024xf32, #tpu.memory_space<vmem>> -> memref<1x8x1024xf32, #tpu.memory_space<vmem>>
      %dma_start3A_398 = tpu.memref_squeeze %dma_start3A_397 : memref<1x8x1024xf32, #tpu.memory_space<vmem>> -> memref<8x1024xf32, #tpu.memory_space<vmem>>
      tpu.enqueue_dma source(%dma_start3A_398 : memref<8x1024xf32, #tpu.memory_space<vmem>>) target(%dma_start3A_394 : memref<8x1024xf32, #tpu.memory_space<hbm>>) target_semaphore(%arg17 : memref<!tpu.dma_semaphore, #tpu.memory_space<semaphore_mem>>)
      %add3A_399 = arith.constant 2 : i32
      %add3A_400 = arith.addi %add3A_323, %add3A_399 : i32
      %add3A_401 = arith.constant 1 : i32
      %add3A_402 = arith.addi %add3A_400, %add3A_401 : i32
      %lt3A_403 = arith.constant 32 : i32
      %lt3A_404 = arith.cmpi slt, %add3A_402, %lt3A_403 : i32
      %convert_element_type3A_405 = arith.extui %lt3A_404 : i1 to i32
      %cond3A_406 = arith.constant 0 : i32
      %cond3A_407 = arith.cmpi ne, %convert_element_type3A_405, %cond3A_406 : i32
      scf.if %cond3A_407 {
        %ge3A = arith.constant 4 : i32
        %ge3A_494 = arith.cmpi sge, %add3A_402, %ge3A : i32
        %convert_element_type3A_495 = arith.extui %ge3A_494 : i1 to i32
        %cond3A_496 = arith.constant 0 : i32
        %cond3A_497 = arith.cmpi ne, %convert_element_type3A_495, %cond3A_496 : i32
        scf.if %cond3A_497 {
          %dma_wait3A_509 = arith.constant 1 : i32
          %dma_wait3A_510 = arith.constant 0 : i32
          %dma_wait3A_511 = arith.constant 0 : i32
          %dma_wait3A_512 = tpu.memref_slice %arg8[%dma_wait3A_509, %dma_wait3A_510, %dma_wait3A_511] : memref<4x8x1024xf32, #tpu.memory_space<vmem>> -> memref<1x8x1024xf32, #tpu.memory_space<vmem>>
          %dma_wait3A_513 = tpu.memref_squeeze %dma_wait3A_512 : memref<1x8x1024xf32, #tpu.memory_space<vmem>> -> memref<8x1024xf32, #tpu.memory_space<vmem>>
          %dma_wait3A_514 = arith.constant 0 : i32
          %dma_wait3A_515 = arith.constant 0 : i32
          %dma_wait3A_516 = tpu.memref_slice %arg5[%dma_wait3A_514, %dma_wait3A_515] : memref<8192x1024xf32, #tpu.memory_space<hbm>> -> memref<8x1024xf32, #tpu.memory_space<hbm>>
          %dma_wait3A_517 = arith.constant 0 : i32
          %dma_wait3A_518 = arith.constant 0 : i32
          %dma_wait3A_519 = tpu.memref_slice %arg5[%dma_wait3A_517, %dma_wait3A_518] : memref<8192x1024xf32, #tpu.memory_space<hbm>> -> memref<8x1024xf32, #tpu.memory_space<hbm>>
          %dma_wait3A_520 = arith.constant 0 : i32
          %dma_wait3A_521 = arith.constant 0 : i32
          %dma_wait3A_522 = tpu.memref_slice %arg8[%dma_wait3A_509, %dma_wait3A_520, %dma_wait3A_521] : memref<4x8x1024xf32, #tpu.memory_space<vmem>> -> memref<1x8x1024xf32, #tpu.memory_space<vmem>>
          %dma_wait3A_523 = tpu.memref_squeeze %dma_wait3A_522 : memref<1x8x1024xf32, #tpu.memory_space<vmem>> -> memref<8x1024xf32, #tpu.memory_space<vmem>>
          tpu.wait_dma2 semaphore(%arg16 : memref<!tpu.dma_semaphore, #tpu.memory_space<semaphore_mem>>) src(%dma_wait3A_523 : memref<8x1024xf32, #tpu.memory_space<vmem>>) dst(%dma_wait3A_519 : memref<8x1024xf32, #tpu.memory_space<hbm>>)
        } else {
        }
        %mul3A_498 = arith.constant 8 : i32
        %mul3A_499 = arith.muli %add3A_402, %mul3A_498 : i32
        %dma_start3A_500 = arith.constant 1 : i32
        %dma_start3A_501 = arith.constant 0 : i32
        %dma_start3A_502 = arith.constant 0 : i32
        %dma_start3A_503 = tpu.memref_slice %arg8[%dma_start3A_500, %dma_start3A_501, %dma_start3A_502] : memref<4x8x1024xf32, #tpu.memory_space<vmem>> -> memref<1x8x1024xf32, #tpu.memory_space<vmem>>
        %dma_start3A_504 = tpu.memref_squeeze %dma_start3A_503 : memref<1x8x1024xf32, #tpu.memory_space<vmem>> -> memref<8x1024xf32, #tpu.memory_space<vmem>>
        %dma_start3A_505 = tpu.memref_slice %arg6[%mul3A_499] : memref<256xi32, #tpu.memory_space<vmem>> -> memref<8xi32, #tpu.memory_space<vmem>>
        %dma_start3A_506 = arith.constant 0 : i32
        %dma_start3A_507 = arith.constant 0 : i32
        %dma_start3A_508 = tpu.memref_slice %arg3[%dma_start3A_506, %dma_start3A_507] : memref<100000x1024xf32, #tpu.memory_space<hbm>> -> memref<100000x1024xf32, #tpu.memory_space<hbm>>
        tpu.enqueue_indirect_dma source(%dma_start3A_508 : memref<100000x1024xf32, #tpu.memory_space<hbm>>) target(%dma_start3A_504 : memref<8x1024xf32, #tpu.memory_space<vmem>>) offsets(%dma_start3A_505 : memref<8xi32, #tpu.memory_space<vmem>>) semaphore(%arg12 : memref<!tpu.dma_semaphore, #tpu.memory_space<semaphore_mem>>)
      } else {
      }
      %add3A_408 = arith.constant 3 : i32
      %add3A_409 = arith.addi %mul3A_162, %add3A_408 : i32
      %mul3A_410 = arith.constant 8 : i32
      %mul3A_411 = arith.muli %add3A_409, %mul3A_410 : i32
      %dma_wait3A_412 = arith.constant 3 : i32
      %dma_wait3A_413 = arith.constant 0 : i32
      %dma_wait3A_414 = arith.constant 0 : i32
      %dma_wait3A_415 = tpu.memref_slice %arg8[%dma_wait3A_412, %dma_wait3A_413, %dma_wait3A_414] : memref<4x8x1024xf32, #tpu.memory_space<vmem>> -> memref<1x8x1024xf32, #tpu.memory_space<vmem>>
      %dma_wait3A_416 = tpu.memref_squeeze %dma_wait3A_415 : memref<1x8x1024xf32, #tpu.memory_space<vmem>> -> memref<8x1024xf32, #tpu.memory_space<vmem>>
      %dma_wait3A_417 = tpu.memref_slice %arg6[%mul3A_411] : memref<256xi32, #tpu.memory_space<vmem>> -> memref<8xi32, #tpu.memory_space<vmem>>
      %dma_wait3A_418 = arith.constant 0 : i32
      %dma_wait3A_419 = arith.constant 0 : i32
      %dma_wait3A_420 = tpu.memref_slice %arg3[%dma_wait3A_418, %dma_wait3A_419] : memref<100000x1024xf32, #tpu.memory_space<hbm>> -> memref<100000x1024xf32, #tpu.memory_space<hbm>>
      tpu.wait_indirect_dma semaphore(%arg14 : memref<!tpu.dma_semaphore, #tpu.memory_space<semaphore_mem>>) src(%dma_wait3A_420 : memref<100000x1024xf32, #tpu.memory_space<hbm>>) dst(%dma_wait3A_416 : memref<8x1024xf32, #tpu.memory_space<vmem>>)
      %jit3A_421 = arith.constant 8 : i32
      %div3A_422 = arith.divsi %add3A_409, %jit3A_421 : i32
      %sign3A_423 = arith.constant 0 : i32
      %sign3A_424 = arith.cmpi sgt, %add3A_409, %sign3A_423 : i32
      %sign3A_425 = arith.extui %sign3A_424 : i1 to i32
      %sign3A_426 = arith.constant 0 : i32
      %sign3A_427 = arith.cmpi slt, %add3A_409, %sign3A_426 : i32
      %sign3A_428 = arith.extui %sign3A_427 : i1 to i32
      %sign3A_429 = arith.subi %sign3A_425, %sign3A_428 : i32
      %sign3A_430 = arith.constant 0 : i32
      %sign3A_431 = arith.cmpi sgt, %jit3A_421, %sign3A_430 : i32
      %sign3A_432 = arith.extui %sign3A_431 : i1 to i32
      %sign3A_433 = arith.constant 0 : i32
      %sign3A_434 = arith.cmpi slt, %jit3A_421, %sign3A_433 : i32
      %sign3A_435 = arith.extui %sign3A_434 : i1 to i32
      %sign3A_436 = arith.subi %sign3A_432, %sign3A_435 : i32
      %ne3A_437 = arith.cmpi ne, %sign3A_429, %sign3A_436 : i32
      %rem3A_438 = arith.remsi %add3A_409, %jit3A_421 : i32
      %ne3A_439 = arith.constant 0 : i32
      %ne3A_440 = arith.cmpi ne, %rem3A_438, %ne3A_439 : i32
      %and3A_441 = arith.andi %ne3A_437, %ne3A_440 : i1
      %sub3A_442 = arith.constant 1 : i32
      %sub3A_443 = arith.subi %div3A_422, %sub3A_442 : i32
      %select_n3A_444 = arith.select %and3A_441, %sub3A_443, %div3A_422 : i32
      %jit3A_445 = arith.constant 8 : i32
      %eq3A_446 = arith.constant 0 : i32
      %eq3A_447 = arith.cmpi eq, %jit3A_445, %eq3A_446 : i32
      %jit3A_448 = arith.constant 1 : i32
      %select_n3A_449 = arith.select %eq3A_447, %jit3A_448, %jit3A_445 : i32
      %rem3A_450 = arith.remsi %add3A_409, %select_n3A_449 : i32
      %ne3A_451 = arith.constant 0 : i32
      %ne3A_452 = arith.cmpi ne, %rem3A_450, %ne3A_451 : i32
      %lt3A_453 = arith.constant 0 : i32
      %lt3A_454 = arith.cmpi slt, %rem3A_450, %lt3A_453 : i32
      %lt3A_455 = arith.constant 0 : i32
      %lt3A_456 = arith.cmpi slt, %select_n3A_449, %lt3A_455 : i32
      %ne3A_457 = arith.xori %lt3A_454, %lt3A_456 : i1
      %and3A_458 = arith.andi %ne3A_457, %ne3A_452 : i1
      %add3A_459 = arith.addi %rem3A_450, %select_n3A_449 : i32
      %select_n3A_460 = arith.select %and3A_458, %add3A_459, %rem3A_450 : i32
      %mul3A_461 = arith.constant 8 : i32
      %mul3A_462 = arith.muli %select_n3A_460, %mul3A_461 : i32
      %parallel_loop3A_463 = arith.constant 0 : i32
      %parallel_loop3A_464 = arith.constant 512 : i32
      %parallel_loop3A_465 = arith.constant 1 : i32
      scf.for %parallel_loop3A_494 = %parallel_loop3A_463 to %parallel_loop3A_464 step %parallel_loop3A_465  : i32 {
        %parallel_loop3A_495 = arith.constant 64 : i32
        %parallel_loop3A_496 = arith.divsi %parallel_loop3A_494, %parallel_loop3A_495 : i32
        %parallel_loop3A_497 = arith.constant 0 : i32
        %parallel_loop3A_498 = arith.cmpi sgt, %parallel_loop3A_494, %parallel_loop3A_497 : i32
        %parallel_loop3A_499 = arith.extui %parallel_loop3A_498 : i1 to i32
        %parallel_loop3A_500 = arith.constant 0 : i32
        %parallel_loop3A_501 = arith.cmpi slt, %parallel_loop3A_494, %parallel_loop3A_500 : i32
        %parallel_loop3A_502 = arith.extui %parallel_loop3A_501 : i1 to i32
        %parallel_loop3A_503 = arith.subi %parallel_loop3A_499, %parallel_loop3A_502 : i32
        %parallel_loop3A_504 = arith.constant 0 : i32
        %parallel_loop3A_505 = arith.cmpi sgt, %parallel_loop3A_495, %parallel_loop3A_504 : i32
        %parallel_loop3A_506 = arith.extui %parallel_loop3A_505 : i1 to i32
        %parallel_loop3A_507 = arith.constant 0 : i32
        %parallel_loop3A_508 = arith.cmpi slt, %parallel_loop3A_495, %parallel_loop3A_507 : i32
        %parallel_loop3A_509 = arith.extui %parallel_loop3A_508 : i1 to i32
        %parallel_loop3A_510 = arith.subi %parallel_loop3A_506, %parallel_loop3A_509 : i32
        %parallel_loop3A_511 = arith.cmpi ne, %parallel_loop3A_503, %parallel_loop3A_510 : i32
        %parallel_loop3A_512 = arith.remsi %parallel_loop3A_494, %parallel_loop3A_495 : i32
        %parallel_loop3A_513 = arith.constant 0 : i32
        %parallel_loop3A_514 = arith.cmpi ne, %parallel_loop3A_512, %parallel_loop3A_513 : i32
        %parallel_loop3A_515 = arith.andi %parallel_loop3A_511, %parallel_loop3A_514 : i1
        %parallel_loop3A_516 = arith.constant 1 : i32
        %parallel_loop3A_517 = arith.subi %parallel_loop3A_496, %parallel_loop3A_516 : i32
        %parallel_loop3A_518 = arith.select %parallel_loop3A_515, %parallel_loop3A_517, %parallel_loop3A_496 : i32
        %parallel_loop3A_519 = arith.constant 64 : i32
        %parallel_loop3A_520 = arith.constant 0 : i32
        %parallel_loop3A_521 = arith.cmpi eq, %parallel_loop3A_519, %parallel_loop3A_520 : i32
        %parallel_loop3A_522 = arith.constant 1 : i32
        %parallel_loop3A_523 = arith.select %parallel_loop3A_521, %parallel_loop3A_522, %parallel_loop3A_519 : i32
        %parallel_loop3A_524 = arith.remsi %parallel_loop3A_494, %parallel_loop3A_523 : i32
        %parallel_loop3A_525 = arith.constant 0 : i32
        %parallel_loop3A_526 = arith.cmpi ne, %parallel_loop3A_524, %parallel_loop3A_525 : i32
        %parallel_loop3A_527 = arith.constant 0 : i32
        %parallel_loop3A_528 = arith.cmpi slt, %parallel_loop3A_524, %parallel_loop3A_527 : i32
        %parallel_loop3A_529 = arith.constant 0 : i32
        %parallel_loop3A_530 = arith.cmpi slt, %parallel_loop3A_523, %parallel_loop3A_529 : i32
        %parallel_loop3A_531 = arith.xori %parallel_loop3A_528, %parallel_loop3A_530 : i1
        %parallel_loop3A_532 = arith.andi %parallel_loop3A_531, %parallel_loop3A_526 : i1
        %parallel_loop3A_533 = arith.addi %parallel_loop3A_524, %parallel_loop3A_523 : i32
        %parallel_loop3A_534 = arith.select %parallel_loop3A_532, %parallel_loop3A_533, %parallel_loop3A_524 : i32
        %parallel_loop3A_535 = arith.constant 16 : i32
        %parallel_loop3A_536 = arith.muli %parallel_loop3A_534, %parallel_loop3A_535 : i32
        %parallel_loop3A_537 = arith.addi %mul3A_462, %parallel_loop3A_518 : i32
        %parallel_loop3A_538 = arith.index_cast %parallel_loop3A_537 : i32 to index
        %parallel_loop3A_539 = arith.index_cast %parallel_loop3A_536 : i32 to index
        %parallel_loop3A_540 = tpu.vector_load %arg7[%parallel_loop3A_538, %parallel_loop3A_539] {strides = array<i32>} : memref<64x1024xf32, #tpu.memory_space<vmem>>, vector<1x16xf32>,
        %parallel_loop3A_541 = vector.shape_cast %parallel_loop3A_540 : vector<1x16xf32> to vector<16xf32>
        %parallel_loop3A_542 = arith.constant 3 : i32
        %parallel_loop3A_543 = arith.index_cast %parallel_loop3A_542 : i32 to index
        %parallel_loop3A_544 = arith.index_cast %parallel_loop3A_518 : i32 to index
        %parallel_loop3A_545 = arith.index_cast %parallel_loop3A_536 : i32 to index
        %parallel_loop3A_546 = tpu.vector_load %arg8[%parallel_loop3A_543, %parallel_loop3A_544, %parallel_loop3A_545] {strides = array<i32>} : memref<4x8x1024xf32, #tpu.memory_space<vmem>>, vector<1x1x16xf32>,
        %parallel_loop3A_547 = vector.shape_cast %parallel_loop3A_546 : vector<1x1x16xf32> to vector<16xf32>
        %parallel_loop3A_548 = vector.shape_cast %parallel_loop3A_541 : vector<16xf32> to vector<1x1x16xf32>
        tpu.vector_store %arg8[%parallel_loop3A_543, %parallel_loop3A_544, %parallel_loop3A_545], %parallel_loop3A_548 {add = true, strides = array<i32>} : memref<4x8x1024xf32, #tpu.memory_space<vmem>>, vector<1x1x16xf32>,
      } {sc.loop_unroll_factor = 8 : i64, sc.parallel_access}
      %mul3A_466 = arith.constant 2048 : i32
      %mul3A_467 = arith.muli %select_n3A_444, %mul3A_466 : i32
      %add3A_468 = arith.addi %mul3A_467, %mul3A_2 : i32
      %mul3A_469 = arith.constant 8 : i32
      %mul3A_470 = arith.muli %select_n3A_460, %mul3A_469 : i32
      %add3A_471 = arith.addi %add3A_468, %mul3A_470 : i32
      %dma_start3A_472 = arith.constant 3 : i32
      %dma_start3A_473 = arith.constant 0 : i32
      %dma_start3A_474 = arith.constant 0 : i32
      %dma_start3A_475 = tpu.memref_slice %arg8[%dma_start3A_472, %dma_start3A_473, %dma_start3A_474] : memref<4x8x1024xf32, #tpu.memory_space<vmem>> -> memref<1x8x1024xf32, #tpu.memory_space<vmem>>
      %dma_start3A_476 = tpu.memref_squeeze %dma_start3A_475 : memref<1x8x1024xf32, #tpu.memory_space<vmem>> -> memref<8x1024xf32, #tpu.memory_space<vmem>>
      %dma_start3A_477 = arith.constant 0 : i32
      %dma_start3A_478 = tpu.memref_slice %arg5[%add3A_471, %dma_start3A_477] : memref<8192x1024xf32, #tpu.memory_space<hbm>> -> memref<8x1024xf32, #tpu.memory_space<hbm>>
      %dma_start3A_479 = arith.constant 0 : i32
      %dma_start3A_480 = tpu.memref_slice %arg5[%add3A_471, %dma_start3A_479] : memref<8192x1024xf32, #tpu.memory_space<hbm>> -> memref<8x1024xf32, #tpu.memory_space<hbm>>
      %dma_start3A_481 = arith.constant 0 : i32
      %dma_start3A_482 = arith.constant 0 : i32
      %dma_start3A_483 = tpu.memref_slice %arg8[%dma_start3A_472, %dma_start3A_481, %dma_start3A_482] : memref<4x8x1024xf32, #tpu.memory_space<vmem>> -> memref<1x8x1024xf32, #tpu.memory_space<vmem>>
      %dma_start3A_484 = tpu.memref_squeeze %dma_start3A_483 : memref<1x8x1024xf32, #tpu.memory_space<vmem>> -> memref<8x1024xf32, #tpu.memory_space<vmem>>
      tpu.enqueue_dma source(%dma_start3A_484 : memref<8x1024xf32, #tpu.memory_space<vmem>>) target(%dma_start3A_480 : memref<8x1024xf32, #tpu.memory_space<hbm>>) target_semaphore(%arg18 : memref<!tpu.dma_semaphore, #tpu.memory_space<semaphore_mem>>)
      %add3A_485 = arith.constant 2 : i32
      %add3A_486 = arith.addi %add3A_409, %add3A_485 : i32
      %add3A_487 = arith.constant 1 : i32
      %add3A_488 = arith.addi %add3A_486, %add3A_487 : i32
      %lt3A_489 = arith.constant 32 : i32
      %lt3A_490 = arith.cmpi slt, %add3A_488, %lt3A_489 : i32
      %convert_element_type3A_491 = arith.extui %lt3A_490 : i1 to i32
      %cond3A_492 = arith.constant 0 : i32
      %cond3A_493 = arith.cmpi ne, %convert_element_type3A_491, %cond3A_492 : i32
      scf.if %cond3A_493 {
        %ge3A = arith.constant 4 : i32
        %ge3A_494 = arith.cmpi sge, %add3A_488, %ge3A : i32
        %convert_element_type3A_495 = arith.extui %ge3A_494 : i1 to i32
        %cond3A_496 = arith.constant 0 : i32
        %cond3A_497 = arith.cmpi ne, %convert_element_type3A_495, %cond3A_496 : i32
        scf.if %cond3A_497 {
          %dma_wait3A_509 = arith.constant 2 : i32
          %dma_wait3A_510 = arith.constant 0 : i32
          %dma_wait3A_511 = arith.constant 0 : i32
          %dma_wait3A_512 = tpu.memref_slice %arg8[%dma_wait3A_509, %dma_wait3A_510, %dma_wait3A_511] : memref<4x8x1024xf32, #tpu.memory_space<vmem>> -> memref<1x8x1024xf32, #tpu.memory_space<vmem>>
          %dma_wait3A_513 = tpu.memref_squeeze %dma_wait3A_512 : memref<1x8x1024xf32, #tpu.memory_space<vmem>> -> memref<8x1024xf32, #tpu.memory_space<vmem>>
          %dma_wait3A_514 = arith.constant 0 : i32
          %dma_wait3A_515 = arith.constant 0 : i32
          %dma_wait3A_516 = tpu.memref_slice %arg5[%dma_wait3A_514, %dma_wait3A_515] : memref<8192x1024xf32, #tpu.memory_space<hbm>> -> memref<8x1024xf32, #tpu.memory_space<hbm>>
          %dma_wait3A_517 = arith.constant 0 : i32
          %dma_wait3A_518 = arith.constant 0 : i32
          %dma_wait3A_519 = tpu.memref_slice %arg5[%dma_wait3A_517, %dma_wait3A_518] : memref<8192x1024xf32, #tpu.memory_space<hbm>> -> memref<8x1024xf32, #tpu.memory_space<hbm>>
          %dma_wait3A_520 = arith.constant 0 : i32
          %dma_wait3A_521 = arith.constant 0 : i32
          %dma_wait3A_522 = tpu.memref_slice %arg8[%dma_wait3A_509, %dma_wait3A_520, %dma_wait3A_521] : memref<4x8x1024xf32, #tpu.memory_space<vmem>> -> memref<1x8x1024xf32, #tpu.memory_space<vmem>>
          %dma_wait3A_523 = tpu.memref_squeeze %dma_wait3A_522 : memref<1x8x1024xf32, #tpu.memory_space<vmem>> -> memref<8x1024xf32, #tpu.memory_space<vmem>>
          tpu.wait_dma2 semaphore(%arg17 : memref<!tpu.dma_semaphore, #tpu.memory_space<semaphore_mem>>) src(%dma_wait3A_523 : memref<8x1024xf32, #tpu.memory_space<vmem>>) dst(%dma_wait3A_519 : memref<8x1024xf32, #tpu.memory_space<hbm>>)
        } else {
        }
        %mul3A_498 = arith.constant 8 : i32
        %mul3A_499 = arith.muli %add3A_488, %mul3A_498 : i32
        %dma_start3A_500 = arith.constant 2 : i32
        %dma_start3A_501 = arith.constant 0 : i32
        %dma_start3A_502 = arith.constant 0 : i32
        %dma_start3A_503 = tpu.memref_slice %arg8[%dma_start3A_500, %dma_start3A_501, %dma_start3A_502] : memref<4x8x1024xf32, #tpu.memory_space<vmem>> -> memref<1x8x1024xf32, #tpu.memory_space<vmem>>
        %dma_start3A_504 = tpu.memref_squeeze %dma_start3A_503 : memref<1x8x1024xf32, #tpu.memory_space<vmem>> -> memref<8x1024xf32, #tpu.memory_space<vmem>>
        %dma_start3A_505 = tpu.memref_slice %arg6[%mul3A_499] : memref<256xi32, #tpu.memory_space<vmem>> -> memref<8xi32, #tpu.memory_space<vmem>>
        %dma_start3A_506 = arith.constant 0 : i32
        %dma_start3A_507 = arith.constant 0 : i32
        %dma_start3A_508 = tpu.memref_slice %arg3[%dma_start3A_506, %dma_start3A_507] : memref<100000x1024xf32, #tpu.memory_space<hbm>> -> memref<100000x1024xf32, #tpu.memory_space<hbm>>
        tpu.enqueue_indirect_dma source(%dma_start3A_508 : memref<100000x1024xf32, #tpu.memory_space<hbm>>) target(%dma_start3A_504 : memref<8x1024xf32, #tpu.memory_space<vmem>>) offsets(%dma_start3A_505 : memref<8xi32, #tpu.memory_space<vmem>>) semaphore(%arg13 : memref<!tpu.dma_semaphore, #tpu.memory_space<semaphore_mem>>)
      } else {
      }
    }
    %scan3A_99 = arith.constant 8 : i32
    %dma_wait3A_100 = arith.constant 0 : i32
    %dma_wait3A_101 = arith.constant 0 : i32
    %dma_wait3A_102 = arith.constant 0 : i32
    %dma_wait3A_103 = tpu.memref_slice %arg8[%dma_wait3A_100, %dma_wait3A_101, %dma_wait3A_102] : memref<4x8x1024xf32, #tpu.memory_space<vmem>> -> memref<1x8x1024xf32, #tpu.memory_space<vmem>>
    %dma_wait3A_104 = tpu.memref_squeeze %dma_wait3A_103 : memref<1x8x1024xf32, #tpu.memory_space<vmem>> -> memref<8x1024xf32, #tpu.memory_space<vmem>>
    %dma_wait3A_105 = arith.constant 0 : i32
    %dma_wait3A_106 = arith.constant 0 : i32
    %dma_wait3A_107 = tpu.memref_slice %arg5[%dma_wait3A_105, %dma_wait3A_106] : memref<8192x1024xf32, #tpu.memory_space<hbm>> -> memref<8x1024xf32, #tpu.memory_space<hbm>>
    %dma_wait3A_108 = arith.constant 0 : i32
    %dma_wait3A_109 = arith.constant 0 : i32
    %dma_wait3A_110 = tpu.memref_slice %arg5[%dma_wait3A_108, %dma_wait3A_109] : memref<8192x1024xf32, #tpu.memory_space<hbm>> -> memref<8x1024xf32, #tpu.memory_space<hbm>>
    %dma_wait3A_111 = arith.constant 0 : i32
    %dma_wait3A_112 = arith.constant 0 : i32
    %dma_wait3A_113 = tpu.memref_slice %arg8[%dma_wait3A_100, %dma_wait3A_111, %dma_wait3A_112] : memref<4x8x1024xf32, #tpu.memory_space<vmem>> -> memref<1x8x1024xf32, #tpu.memory_space<vmem>>
    %dma_wait3A_114 = tpu.memref_squeeze %dma_wait3A_113 : memref<1x8x1024xf32, #tpu.memory_space<vmem>> -> memref<8x1024xf32, #tpu.memory_space<vmem>>
    tpu.wait_dma2 semaphore(%arg15 : memref<!tpu.dma_semaphore, #tpu.memory_space<semaphore_mem>>) src(%dma_wait3A_114 : memref<8x1024xf32, #tpu.memory_space<vmem>>) dst(%dma_wait3A_110 : memref<8x1024xf32, #tpu.memory_space<hbm>>)
    %dma_wait3A_115 = arith.constant 1 : i32
    %dma_wait3A_116 = arith.constant 0 : i32
    %dma_wait3A_117 = arith.constant 0 : i32
    %dma_wait3A_118 = tpu.memref_slice %arg8[%dma_wait3A_115, %dma_wait3A_116, %dma_wait3A_117] : memref<4x8x1024xf32, #tpu.memory_space<vmem>> -> memref<1x8x1024xf32, #tpu.memory_space<vmem>>
    %dma_wait3A_119 = tpu.memref_squeeze %dma_wait3A_118 : memref<1x8x1024xf32, #tpu.memory_space<vmem>> -> memref<8x1024xf32, #tpu.memory_space<vmem>>
    %dma_wait3A_120 = arith.constant 0 : i32
    %dma_wait3A_121 = arith.constant 0 : i32
    %dma_wait3A_122 = tpu.memref_slice %arg5[%dma_wait3A_120, %dma_wait3A_121] : memref<8192x1024xf32, #tpu.memory_space<hbm>> -> memref<8x1024xf32, #tpu.memory_space<hbm>>
    %dma_wait3A_123 = arith.constant 0 : i32
    %dma_wait3A_124 = arith.constant 0 : i32
    %dma_wait3A_125 = tpu.memref_slice %arg5[%dma_wait3A_123, %dma_wait3A_124] : memref<8192x1024xf32, #tpu.memory_space<hbm>> -> memref<8x1024xf32, #tpu.memory_space<hbm>>
    %dma_wait3A_126 = arith.constant 0 : i32
    %dma_wait3A_127 = arith.constant 0 : i32
    %dma_wait3A_128 = tpu.memref_slice %arg8[%dma_wait3A_115, %dma_wait3A_126, %dma_wait3A_127] : memref<4x8x1024xf32, #tpu.memory_space<vmem>> -> memref<1x8x1024xf32, #tpu.memory_space<vmem>>
    %dma_wait3A_129 = tpu.memref_squeeze %dma_wait3A_128 : memref<1x8x1024xf32, #tpu.memory_space<vmem>> -> memref<8x1024xf32, #tpu.memory_space<vmem>>
    tpu.wait_dma2 semaphore(%arg16 : memref<!tpu.dma_semaphore, #tpu.memory_space<semaphore_mem>>) src(%dma_wait3A_129 : memref<8x1024xf32, #tpu.memory_space<vmem>>) dst(%dma_wait3A_125 : memref<8x1024xf32, #tpu.memory_space<hbm>>)
    %dma_wait3A_130 = arith.constant 2 : i32
    %dma_wait3A_131 = arith.constant 0 : i32
    %dma_wait3A_132 = arith.constant 0 : i32
    %dma_wait3A_133 = tpu.memref_slice %arg8[%dma_wait3A_130, %dma_wait3A_131, %dma_wait3A_132] : memref<4x8x1024xf32, #tpu.memory_space<vmem>> -> memref<1x8x1024xf32, #tpu.memory_space<vmem>>
    %dma_wait3A_134 = tpu.memref_squeeze %dma_wait3A_133 : memref<1x8x1024xf32, #tpu.memory_space<vmem>> -> memref<8x1024xf32, #tpu.memory_space<vmem>>
    %dma_wait3A_135 = arith.constant 0 : i32
    %dma_wait3A_136 = arith.constant 0 : i32
    %dma_wait3A_137 = tpu.memref_slice %arg5[%dma_wait3A_135, %dma_wait3A_136] : memref<8192x1024xf32, #tpu.memory_space<hbm>> -> memref<8x1024xf32, #tpu.memory_space<hbm>>
    %dma_wait3A_138 = arith.constant 0 : i32
    %dma_wait3A_139 = arith.constant 0 : i32
    %dma_wait3A_140 = tpu.memref_slice %arg5[%dma_wait3A_138, %dma_wait3A_139] : memref<8192x1024xf32, #tpu.memory_space<hbm>> -> memref<8x1024xf32, #tpu.memory_space<hbm>>
    %dma_wait3A_141 = arith.constant 0 : i32
    %dma_wait3A_142 = arith.constant 0 : i32
    %dma_wait3A_143 = tpu.memref_slice %arg8[%dma_wait3A_130, %dma_wait3A_141, %dma_wait3A_142] : memref<4x8x1024xf32, #tpu.memory_space<vmem>> -> memref<1x8x1024xf32, #tpu.memory_space<vmem>>
    %dma_wait3A_144 = tpu.memref_squeeze %dma_wait3A_143 : memref<1x8x1024xf32, #tpu.memory_space<vmem>> -> memref<8x1024xf32, #tpu.memory_space<vmem>>
    tpu.wait_dma2 semaphore(%arg17 : memref<!tpu.dma_semaphore, #tpu.memory_space<semaphore_mem>>) src(%dma_wait3A_144 : memref<8x1024xf32, #tpu.memory_space<vmem>>) dst(%dma_wait3A_140 : memref<8x1024xf32, #tpu.memory_space<hbm>>)
    %dma_wait3A_145 = arith.constant 3 : i32
    %dma_wait3A_146 = arith.constant 0 : i32
    %dma_wait3A_147 = arith.constant 0 : i32
    %dma_wait3A_148 = tpu.memref_slice %arg8[%dma_wait3A_145, %dma_wait3A_146, %dma_wait3A_147] : memref<4x8x1024xf32, #tpu.memory_space<vmem>> -> memref<1x8x1024xf32, #tpu.memory_space<vmem>>
    %dma_wait3A_149 = tpu.memref_squeeze %dma_wait3A_148 : memref<1x8x1024xf32, #tpu.memory_space<vmem>> -> memref<8x1024xf32, #tpu.memory_space<vmem>>
    %dma_wait3A_150 = arith.constant 0 : i32
    %dma_wait3A_151 = arith.constant 0 : i32
    %dma_wait3A_152 = tpu.memref_slice %arg5[%dma_wait3A_150, %dma_wait3A_151] : memref<8192x1024xf32, #tpu.memory_space<hbm>> -> memref<8x1024xf32, #tpu.memory_space<hbm>>
    %dma_wait3A_153 = arith.constant 0 : i32
    %dma_wait3A_154 = arith.constant 0 : i32
    %dma_wait3A_155 = tpu.memref_slice %arg5[%dma_wait3A_153, %dma_wait3A_154] : memref<8192x1024xf32, #tpu.memory_space<hbm>> -> memref<8x1024xf32, #tpu.memory_space<hbm>>
    %dma_wait3A_156 = arith.constant 0 : i32
    %dma_wait3A_157 = arith.constant 0 : i32
    %dma_wait3A_158 = tpu.memref_slice %arg8[%dma_wait3A_145, %dma_wait3A_156, %dma_wait3A_157] : memref<4x8x1024xf32, #tpu.memory_space<vmem>> -> memref<1x8x1024xf32, #tpu.memory_space<vmem>>
    %dma_wait3A_159 = tpu.memref_squeeze %dma_wait3A_158 : memref<1x8x1024xf32, #tpu.memory_space<vmem>> -> memref<8x1024xf32, #tpu.memory_space<vmem>>
    tpu.wait_dma2 semaphore(%arg18 : memref<!tpu.dma_semaphore, #tpu.memory_space<semaphore_mem>>) src(%dma_wait3A_159 : memref<8x1024xf32, #tpu.memory_space<vmem>>) dst(%dma_wait3A_155 : memref<8x1024xf32, #tpu.memory_space<hbm>>)
    return
  }
}

</mosaic_0001>

<sc_bundles>
// kernel: kernel.3.cloned.1.call-start
scs
__scs_entry_jumppad:
0x0: {  	(pc) =	sbr.rel $0x88, $3  }
0x1: {  	(tag) =	ssettag $0x0;
	lr =	simm.s32 $0x1  }
0x2: {  	[smem:$0x3F9E] =	sst lr;
	_ =	strace $0xD0000000  }
0x3: {  	_ = 	snop  }
0x4: {  	_ = 	snop  }
0x5: {  	_ = 	snop  }
0x6: {  	_ = 	snop  }
0x7: {  	_ = 	snop  }
__scs_overlays_trampoline_lowered:
0x8: {  	[smem:$0x3FAD] =	sst s0  }
0x9: {  	[smem:$0x3FAE] =	sst s1  }
0xa: {  	[smem:$0x3FAF] =	sst s2  }
0xb: {  	[smem:$0x3FB0] =	sst s3  }
0xc: {  	[smem:$0x3FB1] =	sst s4  }
0xd: {  	[smem:$0x3FB2] =	sst s5  }
0xe: {  	[smem:$0x3FB3] =	sst s6  }
0xf: {  	[smem:$0x3FB4] =	sst s7  }
0x10: {  	[smem:$0x3FB5] =	sst s8  }
0x11: {  	[smem:$0x3FB6] =	sst s9;
	s0 =	simm.s32 @!p0 $0x0  }
0x12: {  	s1 =	sld [smem:$0x3F9C];
	s0 =	simm.s32 @p0 $0x1  }
0x13: {  	[smem:$0x3FB7] =	sst s0;
	s0 =	simm.s32 @!p1 $0x0  }
0x14: {  	s2 =	sld [smem:$0x3F9B];
	s0 =	simm.s32 @p1 $0x1  }
0x15: {  	[smem:$0x3FB8] =	sst s0;
	s0 =	simm.s32 @!p2 $0x0  }
0x16: {  	s3 =	sld [smem:$0x3FDB];
	s0 =	simm.s32 @p2 $0x1  }
0x17: {  	s4 =	simm.s32 $0x1BF5;
	[smem:$0x3FBA] =	sst s0  }
0x18: {  	s0 =	sld [smem:$0x3F9D];
	_ =	swait.ge [sflag:s4], $0x0  }
0x19: {  	s7 =	sld [smem:$0x3F9E]  }
0x1a: {  	s8 =	sadd.s32 $0xFFFFE003, lr  }
0x1b: {  	s9 =	sadd.s32 $0xFFFFFEF7, lr;
	s5 =	simm.s32 $0xFFFFFFFF;
	p2 =	slt.u32 s8, $0xFFFFF086  }
0x1c: {  	p1 =	slt.u32 s9, $0xF7A;
	s5 =	simm.s32 @!p2 $0x0  }
0x1d: {  	s5 =	simm.s32 @p1 $0x1;
	p0 =	seq.s32 s7, s2  }
0x1e: {  	s7 =	smul.u32 @!p0 $0xF7A, s2;
	p2 =	seq.s32 @!p0 s5, $0x0  }
0x1f: {  	s9 =	smul.u32 $0xF7A, s1;
	s8 =	simm.s32 @!p0 $0x1BF5;
	p2 =	por !p2, p0  }
0x20: {  	[sflag:s8] =	ssyncset.s32 @!p0 $0xFFFFF086;
	s6 =	sadd.s32 @!p0 s3, s7;
	s7 =	simm.s32 @!p0 $0x108  }
0x21: {  	s3 =	sadd.s32 s3, s9;
	s6 =	sadd.s32 @!p0 $0x88, s6;
	s7 =	simm.s32 @p2 $0x1082  }
0x22: {  	[simem:s7], [sflag:s8] =	dma.local @!p0 [hbm:s6], $0xF7A  }
0x23: {  	s9 =	sor.u32 $0xD0000000, s2;
	s6 =	simm.s32 $0x108;
	_ =	swait.ge @!p0 [sflag:s8], $0x0  }
0x24: {  	s3 =	sadd.s32 $0x88, s3;
	s6 =	simm.s32 @!p1 $0x1082;
	[sflag:s4] =	ssyncset.s32 $0xFFFFF086  }
0x25: {  	[simem:s6], [sflag:s4] =	dma.local [hbm:s3], $0xF7A  }
0x26: {  	[smem:$0x3F9E] =	sst s1;
	(tag) =	ssettag s2;
	_ =	strace s9  }
0x27: {  	s1 =	sld [smem:$0x3FAE]  }
0x28: {  	s2 =	sld [smem:$0x3FAF]  }
0x29: {  	s4 =	sld [smem:$0x3FB1]  }
0x2a: {  	p0 =	seq.s32 s5, $0x0;
	s5 =	sld [smem:$0x3FB2]  }
0x2b: {  	s6 =	sld [smem:$0x3FB3]  }
0x2c: {  	s7 =	sld [smem:$0x3FB4]  }
0x2d: {  	s3 =	simm.s32 $0x108;
	s8 =	sld [smem:$0x3FB5]  }
0x2e: {  	s3 =	simm.s32 @!p0 $0x1082;
	s9 =	sld [smem:$0x3FB6]  }
0x2f: {  	lr =	sadd.s32 s0, s3;
	s0 =	sld [smem:$0x3FAD]  }
0x30: {  	s3 =	sld [smem:$0x3FB0]  }
0x31: {  	[smem:$0x3FB9] =	sst s10  }
0x32: {  	s10 =	sld [smem:$0x3FB7];
	_ =	sdelay $0x3  }
0x33: {  	p0 =	seq.s32 s10, $0x1;
	s10 =	sld [smem:$0x3FB9];
	_ =	sdelay $0x3  }
0x34: {  	[smem:$0x3FB9] =	sst s10  }
0x35: {  	s10 =	sld [smem:$0x3FB8];
	_ =	sdelay $0x3  }
0x36: {  	p1 =	seq.s32 s10, $0x1;
	s10 =	sld [smem:$0x3FB9];
	_ =	sdelay $0x3  }
0x37: {  	[smem:$0x3FB9] =	sst s10  }
0x38: {  	s10 =	sld [smem:$0x3FBA]  }
0x39: {  	_ = 	snop;
	(pc) =	sbr.ind lr, $3  }
0x3a: {  	_ = 	snop  }
0x3b: {  	_ = 	snop  }
0x3c: {  	p2 =	seq.s32 s10, $0x1;
	s10 =	sld [smem:$0x3FB9]  }
0x3d: {  	_ =	shalt  }
0x3e: {  	_ =	shalt  }
0x3f: {  	_ =	shalt  }
0x40: {  	_ =	shalt  }
0x41: {  	_ =	shalt  }
0x42: {  	_ =	shalt  }
0x43: {  	_ =	shalt  }
0x44: {  	_ =	shalt  }
0x45: {  	_ =	shalt  }
0x46: {  	_ =	shalt  }
0x47: {  	_ =	shalt  }
0x48: {  	_ =	shalt  }
0x49: {  	_ =	shalt  }
0x4a: {  	_ =	shalt  }
0x4b: {  	_ =	shalt  }
0x4c: {  	_ =	shalt  }
0x4d: {  	_ =	shalt  }
0x4e: {  	_ =	shalt  }
0x4f: {  	_ =	shalt  }
0x50: {  	_ =	shalt  }
0x51: {  	_ =	shalt  }
0x52: {  	_ =	shalt  }
0x53: {  	_ =	shalt  }
0x54: {  	_ =	shalt  }
0x55: {  	_ =	shalt  }
0x56: {  	_ =	shalt  }
0x57: {  	_ =	shalt  }
0x58: {  	_ =	shalt  }
0x59: {  	_ =	shalt  }
0x5a: {  	_ =	shalt  }
0x5b: {  	_ =	shalt  }
0x5c: {  	_ =	shalt  }
0x5d: {  	_ =	shalt  }
0x5e: {  	_ =	shalt  }
0x5f: {  	_ =	shalt  }
0x60: {  	_ =	shalt  }
0x61: {  	_ =	shalt  }
0x62: {  	_ =	shalt  }
0x63: {  	_ =	shalt  }
0x64: {  	_ =	shalt  }
0x65: {  	_ =	shalt  }
0x66: {  	_ =	shalt  }
0x67: {  	_ =	shalt  }
0x68: {  	_ =	shalt  }
0x69: {  	_ =	shalt  }
0x6a: {  	_ =	shalt  }
0x6b: {  	_ =	shalt  }
0x6c: {  	_ =	shalt  }
0x6d: {  	_ =	shalt  }
0x6e: {  	_ =	shalt  }
0x6f: {  	_ =	shalt  }
0x70: {  	_ =	shalt  }
0x71: {  	_ =	shalt  }
0x72: {  	_ =	shalt  }
0x73: {  	_ =	shalt  }
0x74: {  	_ =	shalt  }
0x75: {  	_ =	shalt  }
0x76: {  	_ =	shalt  }
0x77: {  	_ =	shalt  }
0x78: {  	_ =	shalt  }
0x79: {  	_ =	shalt  }
0x7a: {  	_ =	shalt  }
0x7b: {  	_ =	shalt  }
0x7c: {  	_ =	shalt  }
0x7d: {  	_ =	shalt  }
0x7e: {  	_ =	shalt  }
0x7f: {  	_ =	shalt  }
0x80: {  	_ =	shalt  }
0x81: {  	_ =	shalt  }
0x82: {  	_ =	shalt  }
0x83: {  	_ =	shalt  }
0x84: {  	_ =	shalt  }
0x85: {  	_ =	shalt  }
0x86: {  	_ =	shalt  }
0x87: {  	_ =	shalt  }
.Lfunc_end0:
.L_simem_size_0:
called_computation_lowered:
.L_overlay_start_0:
0x88: {  	s2 =	sld [smem:$0x3FD9]  }
0x89: {  	s3 =	sld [smem:$0x3FFE];
	_ =	sdelay $0x1  }
0x8a: {  	s1 =	srdreg.scid  }
0x8b: {  	s0 =	sand.u32 $0x1, s1  }
0x8c: {  	s17 =	sshll.u32 s0, $0xA;
	s2 =	sadd.s32 s3, s2  }
0x8d: {  	s2 =	sadd.s32 s2, s17  }
0x8e: {  	[smem:$0x3FC5] =	sst s2  }
0x8f: {  	_ = 	snop  }
0x90: {  	s2 =	sld [smem:$0x3FC8]  }
0x91: {  	s18 =	sld [smem:$0x3FC7]  }
0x92: {  	s4 =	sld [smem:$0x3FD0];
	(tm) =	ssettm $0x1  }
0x93: {  	s5 =	sld [smem:$0x3FFB];
	_ =	sdelay $0x3  }
0x94: {  	_ =	strace s5  }
0x95: {  	s5 =	sld [smem:$0x3FFC];
	_ =	sdelay $0x3  }
0x96: {  	_ =	strace s5  }
0x97: {  	s5 =	sld [smem:$0x3FFD];
	_ =	sdelay $0x3  }
0x98: {  	_ =	strace s5  }
0x99: {  	_ =	strace $0x8FFFFFFF  }
0x9a: {  	s19 =	sld [smem:$0x3FDB];
	_ =	sdelay $0x1  }
0x9b: {  	s6 =	simm.s32 $_scs_section_size  }
0x9c: {  	s7 =	simm.s32 $_size__tile_overlayer_lowered;
	s8 =	simm.s32 $_tile_overlayer_lowered  }
0x9d: {  	s22 =	simm.s32 $0x1BFF;
	s21 =	sshll.u32 s8, $0x1;
	s5 =	sadd.s32 s6, s19  }
0x9e: {  	s9 =	simm.s32 $0x0;
	s20 =	sshll.u32 s7, $0x1;
	s7 =	sadd.s32 s21, s5  }
0x9f: {  	[timem:s9], [sflag:s22] =	dma.local [hbm:s7], s20  }
0xa0: {  	_ =	swait.ge [sflag:s22], s20  }
0xa1: {  	s6 =	ssub.s32 $0x0, s20;
	[sflag:s22] =	ssyncset.done $0x0  }
0xa2: {  	[sflag:s22] =	ssyncadd.s32 s6;
	_ =	sdelay $0x1  }
0xa3: {  	s23 =	simm.s32 $0x1B8B  }
0xa4: {  	_ =	swait.ge [sflag:s23], $0x1  }
0xa5: {  	[sflag:s23] =	ssyncset.done $0x0  }
0xa6: {  	s25 =	simm.s32 $0x1B8E;
	s24 =	sld [smem:$0x3FFE];
	[sflag:s23] =	ssyncadd.s32 $0xFFFFFFFF  }
0xa7: {  	s26 =	simm.s32 $execute0_lowered;
	[smem:$0x3FD2] =	sst s25  }
0xa8: {  	s7 =	sshll.u32 s26, $0x1;
	_ =	strace $0x80000046;
	[dreg:$0x1] =	wrdreg $0xFFFFFFFF  }
0xa9: {  	s28 =	simm.s32 $_size_execute0_lowered;
	s5 =	sadd.s32 s5, s7;
	[dreg:$0x0] =	wrdreg $0x0  }
0xaa: {  	s7 =	sshll.u32 s28, $0x1;
	[dreg:$0x2] =	wrdreg s5  }
0xab: {  	[dreg:$0x3] =	wrdreg s7  }
0xac: {  	[dreg:$0x4] =	wrdreg $0xC0  }
0xad: {  	_ =	task [dreg:s9], $0x5FFFF  }
0xae: {  	[dreg:$0x1] =	wrdreg $0xFFFFFFFF  }
0xaf: {  	[dreg:$0x0] =	wrdreg $0x60  }
0xb0: {  	[dreg:$0x2] =	wrdreg s24  }
0xb1: {  	[dreg:$0x3] =	wrdreg s2  }
0xb2: {  	[dreg:$0x4] =	wrdreg s18  }
0xb3: {  	[dreg:$0x5] =	wrdreg s4  }
0xb4: {  	[dreg:$0x6] =	wrdreg $0x9  }
0xb5: {  	_ =	task.clear_ibuf [dreg:s9], $0x7FFFF;
	_ =	strace $0x90000046  }
0xb6: {  	s29 =	simm.s32 $0x9;
	_ =	strace $0x80000048  }
0xb7: {  	_ =	swait.ge [sflag:s29], $0x1  }
0xb8: {  	[sflag:s29] =	ssyncadd.s32 $0xFFFFFFFF  }
0xb9: {  	_ =	strace $0x90000048  }
0xba: {  	_ =	sfence  }
0xbb: {  	s30 =	sld [smem:$0x0];
	_ =	sdelay $0x2  }
0xbc: {  	s31 =	sshll.u32 s1, $0xD;
	s1 =	sshrl.u32 s1, $0x2  }
0xbd: {  	s3 =	sand.u32 $0x4000, s31;
	s1 =	sadd.s32 s1, s30  }
0xbe: {  	s0 =	sor.u32 s3, s0;
	s1 =	sshll.u32 s1, $0x11  }
0xbf: {  	s0 =	sor.u32 s1, s0  }
0xc0: {  	s0 =	sadd.s32 $0x8F2B, s0  }
0xc1: {  	[sflag:s0] =	ssyncadd.remote.s32 $0x1  }
0xc2: {  	_ =	sfence.sel $0xFFFF  }
0xc3: {  	[dreg:$0x0] =	wrdreg $0xFFFFFFFF;
	(pc) =	sbr.abs _section_cstart, $3  }
0xc4: {  	[dreg:$0x1] =	wrdreg $0xFFFFFFFF  }
0xc5: {  	_ =	task.clear_ibuf [dreg:s9], $0x2FFFF;
	_ =	strace $0x9FFFFFFF  }
0xc6: {  	(tm) =	ssettm $0x7FFFFFFF  }
0xc7: {  	_ =	shalt  }
tec
execute0_lowered:
.L_overlay_start_1:
0x0: {  	(tag) =	ssettag $0x1  }
0x1: {  	s0 =	rddreg [dreg:$0x0]  }
0x2: {  	s1 =	rddreg [dreg:$0x1]  }
0x3: {  	s2 =	rddreg [dreg:$0x2]  }
0x4: {  	s3 =	rddreg [dreg:$0x3];
	s5 =	srdreg.scid  }
0x5: {  	s4 =	simm.s32 $0x0;
	s7 =	stileid.u32;
	s18 =	simm.s32 $0x14100  }
0x6: {  	s15 =	simm.s32 $0x3;
	s16 =	simm.s32 $0x16100;
	s22 =	simm.s32 $0x4  }
0x7: {  	s23 =	simm.s32 $0x5;
	s6 =	sand.u32 $0x1, s5;
	[smem:$0x7FF] =	sst s4  }
0x8: {  	s25 =	sshll.u32 s7, $0x7;
	s11 =	sadd.s32 $0x100, s1;
	s26 =	sshll.u32 s6, $0x6  }
0x9: {  	_ =	strace $0x80000047;
	s6 =	ssub.s32 $0x2, s6;
	s5 =	sor.u32 s26, s25  }
0xa: {  	s8 =	sshrl.u32 s6, $0x1;
	s7 =	sshrl.u32 s5, $0x3;
	s9 =	sshll.u32 s5, $0x7  }
0xb: {  	[dreg:$0x5] =	wrdreg s5;
	s6 =	ssub.s32 s6, s8;
	s2 =	sadd.s32 s2, s9  }
0xc: {  	s0 =	sadd.s32 s7, s0;
	s31 =	smax.u32 s6, $0x1;
	[dreg:$0x6] =	wrdreg s2  }
.Ltmp0:
0xd: {  	s28 =	sadd.s32 $0x400, s0;
	[dreg:$0xb] =	wrdreg s31;
	(pc) =	sbr.rel .LBB2_1-.Ltmp0, $4  }
0xe: {  	s12 =	sadd.s32 $0x200, s1;
	s29 =	sadd.s32 $0x500, s0;
	[dreg:$0x7] =	wrdreg s28  }
0xf: {  	v0 =	vlaneseq.u32;
	s13 =	sadd.s32 $0x300, s1;
	s30 =	sadd.s32 $0x600, s0;
	[dreg:$0x8] =	wrdreg s29  }
0x10: {  	v1 =	vshrl.u32 v0, $0x3;
	s25 =	simm.s32 $0x6;
	s0 =	sadd.s32 $0x700, s0;
	[dreg:$0x9] =	wrdreg s30  }
0x11: {  	vm0 =	vmmov $0xffff;
	v0 =	vand.u32 $0x7, v0;
	v1 =	vmul.u32 $0x8, v1;
	s5 =	simm.s32 $0x0;
	s6 =	simm.s32 $0x9;
	[dreg:$0xa] =	wrdreg s0  }
.LBB2_12:
0x12: {  	s0 =	simm.s32 $0x7  }
0x13: {  	_ =	swait.ge [sflag:s0], $0x2000  }
0x14: {  	[sflag:s0] =	ssyncset.done $0x0  }
0x15: {  	s30 =	simm.s32 $0x8;
	[sflag:s0] =	ssyncadd.s32 $0xFFFFE000  }
0x16: {  	_ =	swait.ge [sflag:s30], $0x2000  }
0x17: {  	[sflag:s30] =	ssyncset.done $0x0  }
0x18: {  	[sflag:s30] =	ssyncadd.s32 $0xFFFFE000  }
0x19: {  	_ =	swait.ge [sflag:s6], $0x2000  }
0x1a: {  	[sflag:s6] =	ssyncset.done $0x0  }
0x1b: {  	s2 =	simm.s32 $0xA;
	[sflag:s6] =	ssyncadd.s32 $0xFFFFE000  }
0x1c: {  	_ =	swait.ge [sflag:s2], $0x2000  }
0x1d: {  	s5 =	rddreg [dreg:$0xc]  }
0x1e: {  	s31 =	rddreg [dreg:$0xb];
	s5 =	sadd.s32 $0x1, s5  }
0x1f: {  	p0 =	sne.s32 s5, s31  }
.Ltmp1:
0x20: {  	_ = 	snop;
	(pc) =	sbr.rel @!p0 .LBB2_13-.Ltmp1, $3  }
0x21: {  	_ =	sdelay $0x1  }
0x22: {  	[sflag:s2] =	ssyncset.done $0x0  }
0x23: {  	[sflag:s2] =	ssyncadd.s32 $0xFFFFE000  }
.LBB2_1:
0x24: {  	[dreg:$0xc] =	wrdreg s5  }
0x25: {  	s0 =	rddreg [dreg:$0x6];
	s2 =	simm.s32 $0x100  }
0x26: {  	[tilespmem:s2], [sflag:$0x2] =	stream.linear.gather [hbm4b:s0+s4], $0x10000, $0x38;
	[tilespmem:$0x18100] =	vst v63  }
0x27: {  	s29 =	rddreg [dreg:$0x7]  }
0x28: {  	[tilespmem:s4], [sflag:$0x1] =	stream.linear.gather [hbm4b:s29+s4], $0x40, $0x38;
	[tilespmem:$0x18100] =	vst v63  }
0x29: {  	s30 =	rddreg [dreg:$0x8];
	s31 =	simm.s32 $0x40  }
0x2a: {  	[tilespmem:s31], [sflag:$0x1] =	stream.linear.gather [hbm4b:s30+s4], $0x40, $0x38;
	[tilespmem:$0x18100] =	vst v63  }
0x2b: {  	s5 =	simm.s32 $0x80;
	s2 =	rddreg [dreg:$0x9]  }
0x2c: {  	[tilespmem:s5], [sflag:$0x1] =	stream.linear.gather [hbm4b:s2+s4], $0x40, $0x38;
	[tilespmem:$0x18100] =	vst v63  }
0x2d: {  	s7 =	rddreg [dreg:$0xa];
	s8 =	simm.s32 $0xC0;
	s9 =	simm.s32 $0x1  }
0x2e: {  	[tilespmem:s8], [sflag:$0x1] =	stream.linear.gather [hbm4b:s7+s4], $0x40, $0x38;
	[tilespmem:$0x18100] =	vst v63  }
0x2f: {  	_ =	swait.ge [sflag:s9], $0x40  }
0x30: {  	[sflag:s9] =	ssyncset.done $0x0  }
0x31: {  	[sflag:s9] =	ssyncadd.s32 $0xFFFFFFC0  }
0x32: {  	v2 =	vld.msk [tilespmem:$0x0], $0xff;
	_ =	sdelay $0x4  }
0x33: {  	v3 =	vshll.u32 v2, $0x3  }
0x34: {  	v2 =	vand.u32 $0x7, v2;
	v3 =	vand.u32 $0xFFFFFFC0, v3  }
0x35: {  	v2 =	vor.u32 v2, v3  }
0x36: {  	v2 =	vperm.xlane v2, v0;
	_ =	sdelay $0x1  }
0x37: {  	v2 =	vadd.s32 v1, v2;
	_ =	sdelay $0x3  }
0x38: {  	s10 =	simm.s32 $0x10100  }
0x39: {  	[tilespmem:s10], [sflag:$0x3] =	stream.indirect_vreg.gather [hbm4b:s1+s4], $0x80, v2, vm0, $0xb8;
	[tilespmem:$0x18100] =	vst v63  }
0x3a: {  	s14 =	simm.s32 $0x10900  }
0x3b: {  	[tilespmem:s14], [sflag:$0x3] =	stream.indirect_vreg.gather [hbm4b:s11+s4], $0x80, v2, vm0, $0xb8;
	[tilespmem:$0x18100] =	vst v63  }
0x3c: {  	s17 =	simm.s32 $0x11100  }
0x3d: {  	[tilespmem:s17], [sflag:$0x3] =	stream.indirect_vreg.gather [hbm4b:s12+s4], $0x80, v2, vm0, $0xb8;
	[tilespmem:$0x18100] =	vst v63  }
0x3e: {  	s19 =	simm.s32 $0x11900  }
0x3f: {  	[tilespmem:s19], [sflag:$0x3] =	stream.indirect_vreg.gather [hbm4b:s13+s4], $0x80, v2, vm0, $0xb8;
	[tilespmem:$0x18100] =	vst v63  }
0x40: {  	v2 =	vld.msk [tilespmem:$0x8], $0xff;
	_ =	sdelay $0x4  }
0x41: {  	v3 =	vshll.u32 v2, $0x3  }
0x42: {  	v2 =	vand.u32 $0x7, v2;
	v3 =	vand.u32 $0xFFFFFFC0, v3  }
0x43: {  	v2 =	vor.u32 v2, v3  }
0x44: {  	v2 =	vperm.xlane v2, v0;
	_ =	sdelay $0x1  }
0x45: {  	v2 =	vadd.s32 v1, v2;
	_ =	sdelay $0x3  }
0x46: {  	s20 =	simm.s32 $0x12100  }
0x47: {  	[tilespmem:s20], [sflag:$0x4] =	stream.indirect_vreg.gather [hbm4b:s1+s4], $0x80, v2, vm0, $0xb8;
	[tilespmem:$0x18100] =	vst v63  }
0x48: {  	s21 =	simm.s32 $0x12900  }
0x49: {  	[tilespmem:s21], [sflag:$0x4] =	stream.indirect_vreg.gather [hbm4b:s11+s4], $0x80, v2, vm0, $0xb8;
	[tilespmem:$0x18100] =	vst v63  }
0x4a: {  	s24 =	simm.s32 $0x13100  }
0x4b: {  	[tilespmem:s24], [sflag:$0x4] =	stream.indirect_vreg.gather [hbm4b:s12+s4], $0x80, v2, vm0, $0xb8;
	[tilespmem:$0x18100] =	vst v63  }
0x4c: {  	s26 =	simm.s32 $0x13900  }
0x4d: {  	[tilespmem:s26], [sflag:$0x4] =	stream.indirect_vreg.gather [hbm4b:s13+s4], $0x80, v2, vm0, $0xb8;
	[tilespmem:$0x18100] =	vst v63  }
0x4e: {  	v2 =	vld.msk [tilespmem:$0x10], $0xff;
	_ =	sdelay $0x4  }
0x4f: {  	v3 =	vshll.u32 v2, $0x3  }
0x50: {  	v2 =	vand.u32 $0x7, v2;
	v3 =	vand.u32 $0xFFFFFFC0, v3  }
0x51: {  	v2 =	vor.u32 v2, v3  }
0x52: {  	v2 =	vperm.xlane v2, v0;
	_ =	sdelay $0x1  }
0x53: {  	v2 =	vadd.s32 v1, v2;
	_ =	sdelay $0x4  }
0x54: {  	[tilespmem:s18], [sflag:$0x5] =	stream.indirect_vreg.gather [hbm4b:s1+s4], $0x80, v2, vm0, $0xb8;
	[tilespmem:$0x18100] =	vst v63  }
0x55: {  	s28 =	simm.s32 $0x14900  }
0x56: {  	[tilespmem:s28], [sflag:$0x5] =	stream.indirect_vreg.gather [hbm4b:s11+s4], $0x80, v2, vm0, $0xb8;
	[tilespmem:$0x18100] =	vst v63  }
0x57: {  	s29 =	simm.s32 $0x15100  }
0x58: {  	[tilespmem:s29], [sflag:$0x5] =	stream.indirect_vreg.gather [hbm4b:s12+s4], $0x80, v2, vm0, $0xb8;
	[tilespmem:$0x18100] =	vst v63  }
0x59: {  	s30 =	simm.s32 $0x15900  }
0x5a: {  	[tilespmem:s30], [sflag:$0x5] =	stream.indirect_vreg.gather [hbm4b:s13+s4], $0x80, v2, vm0, $0xb8;
	[tilespmem:$0x18100] =	vst v63  }
0x5b: {  	_ =	swait.ge [sflag:s9], $0x40  }
0x5c: {  	[sflag:s9] =	ssyncset.done $0x0  }
0x5d: {  	[sflag:s9] =	ssyncadd.s32 $0xFFFFFFC0  }
0x5e: {  	_ =	swait.ge [sflag:s9], $0x40  }
0x5f: {  	[sflag:s9] =	ssyncset.done $0x0  }
0x60: {  	[sflag:s9] =	ssyncadd.s32 $0xFFFFFFC0  }
0x61: {  	_ =	swait.ge [sflag:s9], $0x40  }
0x62: {  	[sflag:s9] =	ssyncset.done $0x0  }
0x63: {  	s31 =	simm.s32 $0x2;
	[sflag:s9] =	ssyncadd.s32 $0xFFFFFFC0  }
0x64: {  	_ =	swait.ge [sflag:s31], $0x10000  }
0x65: {  	[sflag:s31] =	ssyncset.done $0x0  }
0x66: {  	s9 =	simm.s32 $0x0;
	[sflag:s31] =	ssyncadd.s32 $0xFFFF0000  }
.LBB2_2:
0x67: {  	s10 =	sshll.u32 s9, $0x5  }
0x68: {  	s26 =	sand.u32 $0x20, s10  }
0x69: {  	_ =	swait.ge [sflag:s15], $0x2000;
	s8 =	simm.s32 $0x0;
	s0 =	sshll.u32 s26, $0xA  }
0x6a: {  	s7 =	simm.s32 $0x0;
	s30 =	sand.u32 $0x380, s8;
	s2 =	sor.u32 $0x100, s0  }
0x6b: {  	[sflag:s15] =	ssyncset.done $0x0;
	s31 =	sand.u32 $0x1C00, s7;
	s14 =	sadd.s32 s30, s2  }
0x6c: {  	[sflag:s15] =	ssyncadd.s32 $0xFFFFE000;
	s14 =	sadd.s32 s31, s14  }
0x6d: {  	v3 =	vld [tilespmem:s14+$0x70]  }
0x6e: {  	v6 =	vld [tilespmem:s14+$0x0]  }
0x6f: {  	v7 =	vld [tilespmem:s14+$0x10]  }
0x70: {  	v8 =	vld [tilespmem:s14+$0x20]  }
0x71: {  	s0 =	sor.u32 s31, s30;
	v2 =	vld [tilespmem:s14+$0x30]  }
0x72: {  	s8 =	sadd.s32 $0x10100, s0;
	v5 =	vld [tilespmem:s14+$0x40]  }
0x73: {  	s17 =	sor.u32 $0x70, s8;
	v4 =	vld [tilespmem:s14+$0x50]  }
0x74: {  	[tilespmem:s17+$0x0] =	vst.add.f32.msk $0xffff, v3  }
0x75: {  	v3 =	vld [tilespmem:s14+$0x60]  }
0x76: {  	s18 =	sor.u32 $0x10, s8;
	s30 =	sor.u32 $0x20, s8;
	[tilespmem:s0+$0x10100] =	vst.add.f32.msk $0xffff, v6  }
0x77: {  	s19 =	sor.u32 $0x50, s8;
	s28 =	sor.u32 $0x60, s8;
	s14 =	simm.s32 $0x0;
	[tilespmem:s18+$0x0] =	vst.add.f32.msk $0xffff, v7  }
0x78: {  	s17 =	sor.u32 $0x30, s8;
	s0 =	sor.u32 $0x40, s8;
	[tilespmem:s30+$0x0] =	vst.add.f32.msk $0xffff, v8;
	s8 =	simm.s32 $0x40  }
.LBB2_3:
0x79: {  	s18 =	sshrl.u32 s8, $0x2;
	s14 =	sadd.s32 $0x8, s14;
	[tilespmem:s17+$0x0] =	vst.add.f32.msk $0xffff, v2  }
0x7a: {  	s7 =	sadd.s32 $0x400, s7;
	s17 =	sand.u32 $0x380, s18;
	p0 =	slt.u32 s14, $0x1F8;
	[tilespmem:s0+$0x0] =	vst.add.f32.msk $0xffff, v5  }
0x7b: {  	s0 =	sand.u32 $0x1C00, s7;
	s18 =	sadd.s32 s17, s2;
	[tilespmem:s19+$0x0] =	vst.add.f32.msk $0xffff, v4  }
0x7c: {  	s18 =	sadd.s32 s0, s18;
	[tilespmem:s28+$0x0] =	vst.add.f32.msk $0xffff, v3  }
0x7d: {  	v3 =	vld [tilespmem:s18+$0x70]  }
0x7e: {  	v6 =	vld [tilespmem:s18+$0x0]  }
0x7f: {  	s30 =	sor.u32 s0, s17;
	v7 =	vld [tilespmem:s18+$0x10]  }
0x80: {  	s28 =	sadd.s32 $0x10100, s30;
	v8 =	vld [tilespmem:s18+$0x20]  }
0x81: {  	s31 =	sor.u32 $0x10, s28;
	s20 =	sor.u32 $0x20, s28;
	s21 =	sor.u32 $0x70, s28;
	v2 =	vld [tilespmem:s18+$0x30]  }
0x82: {  	s17 =	sor.u32 $0x30, s28;
	s0 =	sor.u32 $0x40, s28;
	s19 =	sor.u32 $0x50, s28;
	[tilespmem:s21+$0x0] =	vst.add.f32.msk $0xffff, v3  }
0x83: {  	s28 =	sor.u32 $0x60, s28;
	v5 =	vld [tilespmem:s18+$0x40]  }
.Ltmp2:
0x84: {  	v4 =	vld [tilespmem:s18+$0x50];
	(pc) =	sbr.rel @p0 .LBB2_3-.Ltmp2, $4  }
0x85: {  	v3 =	vld [tilespmem:s18+$0x60]  }
0x86: {  	[tilespmem:s30+$0x10100] =	vst.add.f32.msk $0xffff, v6  }
0x87: {  	[tilespmem:s31+$0x0] =	vst.add.f32.msk $0xffff, v7  }
0x88: {  	s8 =	sadd.s32 $0x40, s8;
	[tilespmem:s20+$0x0] =	vst.add.f32.msk $0xffff, v8  }
0x89: {  	s2 =	sshll.u32 s9, $0xA;
	[tilespmem:s17+$0x0] =	vst.add.f32.msk $0xffff, v2  }
0x8a: {  	s2 =	sand.u32 $0x1800, s2;
	s5 =	rddreg [dreg:$0x5]  }
0x8b: {  	s14 =	sor.u32 s5, s2  }
0x8c: {  	[tilespmem:s0+$0x0] =	vst.add.f32.msk $0xffff, v5;
	s2 =	sor.u32 s26, s14  }
0x8d: {  	[tilespmem:s19+$0x0] =	vst.add.f32.msk $0xffff, v4;
	s0 =	sshll.u32 s2, $0x7  }
0x8e: {  	p0 =	seq.s32 s9, $0x0;
	[tilespmem:s28+$0x0] =	vst.add.f32.msk $0xffff, v3;
	s5 =	simm.s32 $0x10100;
	s0 =	sadd.s32 s3, s0  }
0x8f: {  	[hbm4b:s0+s4] =	stream.linear.scatter [tilespmem:s5], [sflag:$0x7], $0x2000, $0x38;
	[tilespmem:$0x18100] =	vst v63  }
0x90: {  	s0 =	simm.s32 @!p0 $0xA  }
0x91: {  	s7 =	sshllo.u32 s9, $0x2;
	_ =	swait.ge @!p0 [sflag:s0], $0x2000  }
0x92: {  	s2 =	sshll.u32 s7, $0x3;
	[sflag:s0] =	ssyncset.done @!p0 $0x0  }
0x93: {  	s8 =	sand.u32 $0x3FFFFFF8, s2;
	[sflag:s0] =	ssyncadd.s32 @!p0 $0xFFFFE000  }
0x94: {  	v2 =	vld.msk [tilespmem:s8+$0x0], $0xff;
	_ =	sdelay $0x4  }
0x95: {  	v3 =	vshll.u32 v2, $0x3  }
0x96: {  	v2 =	vand.u32 $0x7, v2;
	v3 =	vand.u32 $0xFFFFFFC0, v3  }
0x97: {  	v2 =	vor.u32 v2, v3  }
0x98: {  	v2 =	vperm.xlane v2, v0;
	_ =	sdelay $0x1  }
0x99: {  	v2 =	vadd.s32 v1, v2;
	_ =	sdelay $0x3  }
0x9a: {  	s7 =	simm.s32 $0x0  }
0x9b: {  	[tilespmem:s16], [sflag:$0x6] =	stream.indirect_vreg.gather [hbm4b:s1+s7], $0x80, v2, vm0, $0xb8;
	[tilespmem:$0x18100] =	vst v63  }
0x9c: {  	s17 =	simm.s32 $0x16900  }
0x9d: {  	[tilespmem:s17], [sflag:$0x6] =	stream.indirect_vreg.gather [hbm4b:s11+s7], $0x80, v2, vm0, $0xb8;
	[tilespmem:$0x18100] =	vst v63  }
0x9e: {  	s18 =	simm.s32 $0x17100  }
0x9f: {  	[tilespmem:s18], [sflag:$0x6] =	stream.indirect_vreg.gather [hbm4b:s12+s7], $0x80, v2, vm0, $0xb8;
	[tilespmem:$0x18100] =	vst v63  }
0xa0: {  	s19 =	simm.s32 $0x17900  }
0xa1: {  	[tilespmem:s19], [sflag:$0x6] =	stream.indirect_vreg.gather [hbm4b:s13+s7], $0x80, v2, vm0, $0xb8;
	[tilespmem:$0x18100] =	vst v63  }
0xa2: {  	s19 =	sor.u32 $0x8, s26  }
0xa3: {  	s8 =	simm.s32 $0x0;
	s20 =	sshll.u32 s19, $0xA  }
0xa4: {  	s21 =	sand.u32 $0x380, s8;
	_ =	swait.ge [sflag:s22], $0x2000;
	s28 =	sor.u32 $0x100, s20  }
0xa5: {  	s24 =	sand.u32 $0x1C00, s7;
	[sflag:s22] =	ssyncset.done $0x0;
	s29 =	sadd.s32 s21, s28  }
0xa6: {  	[sflag:s22] =	ssyncadd.s32 $0xFFFFE000;
	s17 =	sadd.s32 s24, s29  }
0xa7: {  	v2 =	vld [tilespmem:s17+$0x70]  }
0xa8: {  	v6 =	vld [tilespmem:s17+$0x0]  }
0xa9: {  	v7 =	vld [tilespmem:s17+$0x10]  }
0xaa: {  	v8 =	vld [tilespmem:s17+$0x20]  }
0xab: {  	v4 =	vld [tilespmem:s17+$0x30]  }
0xac: {  	s0 =	sor.u32 s24, s21;
	v5 =	vld [tilespmem:s17+$0x40]  }
0xad: {  	s8 =	sadd.s32 $0x10100, s0;
	v3 =	vld [tilespmem:s17+$0x50]  }
0xae: {  	[tilespmem:s8+$0x2070] =	vst.add.f32.msk $0xffff, v2  }
0xaf: {  	v2 =	vld [tilespmem:s17+$0x60]  }
0xb0: {  	[tilespmem:s0+$0x12100] =	vst.add.f32.msk $0xffff, v6  }
0xb1: {  	[tilespmem:s8+$0x2010] =	vst.add.f32.msk $0xffff, v7  }
0xb2: {  	s30 =	simm.s32 $0x0;
	s31 =	simm.s32 $0x40;
	[tilespmem:s8+$0x2020] =	vst.add.f32.msk $0xffff, v8  }
.LBB2_5:
0xb3: {  	s0 =	sshrl.u32 s31, $0x2;
	s30 =	sadd.s32 $0x8, s30;
	[tilespmem:s8+$0x2030] =	vst.add.f32.msk $0xffff, v4  }
0xb4: {  	s7 =	sadd.s32 $0x400, s7;
	s0 =	sand.u32 $0x380, s0;
	p0 =	slt.u32 s30, $0x1F8;
	[tilespmem:s8+$0x2040] =	vst.add.f32.msk $0xffff, v5  }
0xb5: {  	s17 =	sand.u32 $0x1C00, s7;
	s18 =	sadd.s32 s0, s28;
	[tilespmem:s8+$0x2050] =	vst.add.f32.msk $0xffff, v3  }
0xb6: {  	s18 =	sadd.s32 s17, s18;
	[tilespmem:s8+$0x2060] =	vst.add.f32.msk $0xffff, v2  }
0xb7: {  	v2 =	vld [tilespmem:s18+$0x70]  }
0xb8: {  	v6 =	vld [tilespmem:s18+$0x0]  }
0xb9: {  	v7 =	vld [tilespmem:s18+$0x10]  }
0xba: {  	s0 =	sor.u32 s17, s0;
	v8 =	vld [tilespmem:s18+$0x20]  }
0xbb: {  	s8 =	sadd.s32 $0x10100, s0;
	v4 =	vld [tilespmem:s18+$0x30]  }
0xbc: {  	[tilespmem:s8+$0x2070] =	vst.add.f32.msk $0xffff, v2  }
0xbd: {  	v5 =	vld [tilespmem:s18+$0x40]  }
.Ltmp3:
0xbe: {  	v3 =	vld [tilespmem:s18+$0x50];
	(pc) =	sbr.rel @p0 .LBB2_5-.Ltmp3, $4  }
0xbf: {  	v2 =	vld [tilespmem:s18+$0x60]  }
0xc0: {  	[tilespmem:s0+$0x12100] =	vst.add.f32.msk $0xffff, v6  }
0xc1: {  	[tilespmem:s8+$0x2010] =	vst.add.f32.msk $0xffff, v7  }
0xc2: {  	s31 =	sadd.s32 $0x40, s31;
	[tilespmem:s8+$0x2020] =	vst.add.f32.msk $0xffff, v8  }
0xc3: {  	[tilespmem:s8+$0x2030] =	vst.add.f32.msk $0xffff, v4  }
0xc4: {  	[tilespmem:s8+$0x2040] =	vst.add.f32.msk $0xffff, v5;
	s0 =	sor.u32 s19, s14  }
0xc5: {  	[tilespmem:s8+$0x2050] =	vst.add.f32.msk $0xffff, v3;
	s0 =	sshll.u32 s0, $0x7  }
0xc6: {  	s5 =	simm.s32 $0x12100;
	p0 =	seq.s32 s9, $0x7;
	[tilespmem:s8+$0x2060] =	vst.add.f32.msk $0xffff, v2;
	s0 =	sadd.s32 s3, s0  }
0xc7: {  	[hbm4b:s0+s4] =	stream.linear.scatter [tilespmem:s5], [sflag:$0x8], $0x2000, $0x38;
	[tilespmem:$0x18100] =	vst v63  }
0xc8: {  	s0 =	simm.s32 @!p0 $0x7  }
0xc9: {  	_ =	swait.ge @!p0 [sflag:s0], $0x2000  }
0xca: {  	s7 =	sshll.u32 @!p0 s9, $0x5;
	[sflag:s0] =	ssyncset.done @!p0 $0x0  }
0xcb: {  	s28 =	sand.u32 @!p0 $0x3FFFFFE0, s7;
	[sflag:s0] =	ssyncadd.s32 @!p0 $0xFFFFE000  }
0xcc: {  	v2 =	vld.msk @!p0 [tilespmem:s28+$0x20], $0xff;
	_ =	sdelay $0x4  }
0xcd: {  	v3 =	vshll.u32 @!p0 v2, $0x3  }
0xce: {  	v4 =	vlaneseq.u32 @!p0;
	v2 =	vand.u32 @!p0 $0x7, v2;
	v3 =	vand.u32 @!p0 $0xFFFFFFC0, v3  }
0xcf: {  	v2 =	vor.u32 @!p0 v2, v3;
	v3 =	vand.u32 @!p0 $0x7, v4;
	v4 =	vshrl.u32 @!p0 v4, $0x3  }
0xd0: {  	v2 =	vperm.xlane @!p0 v2, v3;
	v3 =	vmul.u32 @!p0 $0x8, v4;
	_ =	sdelay $0x1  }
0xd1: {  	v2 =	vadd.s32 @!p0 v3, v2;
	_ =	sdelay $0x3  }
0xd2: {  	vm1 =	vmmov @!p0 $0xffff;
	s7 =	simm.s32 @!p0 $0x10100;
	s0 =	simm.s32 @!p0 $0x0  }
0xd3: {  	[tilespmem:s7], [sflag:$0x3] =	stream.indirect_vreg.gather @!p0 [hbm4b:s1+s0], $0x80, v2, vm1, $0xb8;
	[tilespmem:$0x18100] =	vst v63  }
0xd4: {  	s7 =	simm.s32 @!p0 $0x10900  }
0xd5: {  	[tilespmem:s7], [sflag:$0x3] =	stream.indirect_vreg.gather @!p0 [hbm4b:s11+s0], $0x80, v2, vm1, $0xb8;
	[tilespmem:$0x18100] =	vst v63  }
0xd6: {  	s26 =	sor.u32 $0x10, s26;
	s20 =	simm.s32 $0x0;
	s7 =	simm.s32 @!p0 $0x11100  }
0xd7: {  	[tilespmem:s7], [sflag:$0x3] =	stream.indirect_vreg.gather @!p0 [hbm4b:s12+s0], $0x80, v2, vm1, $0xb8;
	[tilespmem:$0x18100] =	vst v63  }
0xd8: {  	s19 =	sshll.u32 s26, $0xA;
	s21 =	sand.u32 $0x380, s20;
	s7 =	simm.s32 @!p0 $0x11900  }
0xd9: {  	[tilespmem:s7], [sflag:$0x3] =	stream.indirect_vreg.gather @!p0 [hbm4b:s13+s0], $0x80, v2, vm1, $0xb8;
	[tilespmem:$0x18100] =	vst v63  }
0xda: {  	s7 =	sor.u32 $0x100, s19;
	s19 =	simm.s32 $0x0;
	_ =	swait.ge [sflag:s23], $0x2000  }
0xdb: {  	s24 =	sand.u32 $0x1C00, s19;
	s17 =	sadd.s32 s21, s7;
	[sflag:s23] =	ssyncset.done $0x0  }
0xdc: {  	s17 =	sadd.s32 s24, s17;
	[sflag:s23] =	ssyncadd.s32 $0xFFFFE000  }
0xdd: {  	v3 =	vld [tilespmem:s17+$0x70]  }
0xde: {  	v6 =	vld [tilespmem:s17+$0x0]  }
0xdf: {  	v7 =	vld [tilespmem:s17+$0x10]  }
0xe0: {  	v8 =	vld [tilespmem:s17+$0x20]  }
0xe1: {  	s0 =	sor.u32 s24, s21;
	v2 =	vld [tilespmem:s17+$0x30]  }
0xe2: {  	s20 =	sadd.s32 $0x10100, s0;
	v5 =	vld [tilespmem:s17+$0x40]  }
0xe3: {  	s29 =	sor.u32 $0x4070, s20;
	v4 =	vld [tilespmem:s17+$0x50]  }
0xe4: {  	[tilespmem:s29+$0x0] =	vst.add.f32.msk $0xffff, v3  }
0xe5: {  	v3 =	vld [tilespmem:s17+$0x60]  }
0xe6: {  	s8 =	simm.s32 $0x0;
	s21 =	sor.u32 $0x4010, s20;
	[tilespmem:s0+$0x14100] =	vst.add.f32.msk $0xffff, v6  }
0xe7: {  	s30 =	sor.u32 $0x4020, s20;
	s18 =	sor.u32 $0x4030, s20;
	s31 =	sor.u32 $0x4050, s20;
	[tilespmem:s21+$0x0] =	vst.add.f32.msk $0xffff, v7  }
0xe8: {  	s17 =	sor.u32 $0x4040, s20;
	s0 =	sor.u32 $0x4060, s20;
	[tilespmem:s30+$0x0] =	vst.add.f32.msk $0xffff, v8;
	s30 =	simm.s32 $0x40  }
.LBB2_7:
0xe9: {  	s20 =	sshrl.u32 s30, $0x2;
	s8 =	sadd.s32 $0x8, s8;
	[tilespmem:s18+$0x0] =	vst.add.f32.msk $0xffff, v2  }
0xea: {  	s19 =	sadd.s32 $0x400, s19;
	s18 =	sand.u32 $0x380, s20;
	p1 =	slt.u32 s8, $0x1F8;
	[tilespmem:s17+$0x0] =	vst.add.f32.msk $0xffff, v5  }
0xeb: {  	s17 =	sand.u32 $0x1C00, s19;
	s20 =	sadd.s32 s18, s7;
	[tilespmem:s31+$0x0] =	vst.add.f32.msk $0xffff, v4  }
0xec: {  	s20 =	sadd.s32 s17, s20;
	[tilespmem:s0+$0x0] =	vst.add.f32.msk $0xffff, v3  }
0xed: {  	v3 =	vld [tilespmem:s20+$0x70]  }
0xee: {  	v6 =	vld [tilespmem:s20+$0x0]  }
0xef: {  	s21 =	sor.u32 s17, s18;
	v7 =	vld [tilespmem:s20+$0x10]  }
0xf0: {  	s0 =	sadd.s32 $0x10100, s21;
	v8 =	vld [tilespmem:s20+$0x20]  }
0xf1: {  	s24 =	sor.u32 $0x4010, s0;
	s5 =	sor.u32 $0x4020, s0;
	s29 =	sor.u32 $0x4070, s0;
	v2 =	vld [tilespmem:s20+$0x30]  }
0xf2: {  	s18 =	sor.u32 $0x4030, s0;
	s17 =	sor.u32 $0x4040, s0;
	s31 =	sor.u32 $0x4050, s0;
	[tilespmem:s29+$0x0] =	vst.add.f32.msk $0xffff, v3  }
0xf3: {  	s0 =	sor.u32 $0x4060, s0;
	v5 =	vld [tilespmem:s20+$0x40]  }
.Ltmp4:
0xf4: {  	v4 =	vld [tilespmem:s20+$0x50];
	(pc) =	sbr.rel @p1 .LBB2_7-.Ltmp4, $4  }
0xf5: {  	v3 =	vld [tilespmem:s20+$0x60]  }
0xf6: {  	[tilespmem:s21+$0x14100] =	vst.add.f32.msk $0xffff, v6  }
0xf7: {  	[tilespmem:s24+$0x0] =	vst.add.f32.msk $0xffff, v7  }
0xf8: {  	s30 =	sadd.s32 $0x40, s30;
	[tilespmem:s5+$0x0] =	vst.add.f32.msk $0xffff, v8  }
0xf9: {  	[tilespmem:s18+$0x0] =	vst.add.f32.msk $0xffff, v2  }
0xfa: {  	[tilespmem:s17+$0x0] =	vst.add.f32.msk $0xffff, v5;
	s5 =	sor.u32 s26, s14  }
0xfb: {  	[tilespmem:s31+$0x0] =	vst.add.f32.msk $0xffff, v4;
	s5 =	sshll.u32 s5, $0x7  }
0xfc: {  	s18 =	simm.s32 $0x14100;
	[tilespmem:s0+$0x0] =	vst.add.f32.msk $0xffff, v3;
	s0 =	simm.s32 @!p0 $0x8;
	s21 =	sadd.s32 s3, s5  }
0xfd: {  	[hbm4b:s21+s4] =	stream.linear.scatter [tilespmem:s18], [sflag:$0x9], $0x2000, $0x38;
	[tilespmem:$0x18100] =	vst v63  }
0xfe: {  	_ =	swait.ge @!p0 [sflag:s0], $0x2000  }
0xff: {  	[sflag:s0] =	ssyncset.done @!p0 $0x0  }
0x100: {  	[sflag:s0] =	ssyncadd.s32 @!p0 $0xFFFFE000  }
0x101: {  	v2 =	vld.msk @!p0 [tilespmem:s28+$0x28], $0xff;
	_ =	sdelay $0x4  }
0x102: {  	v3 =	vshll.u32 @!p0 v2, $0x3  }
0x103: {  	v4 =	vlaneseq.u32 @!p0;
	v2 =	vand.u32 @!p0 $0x7, v2;
	v3 =	vand.u32 @!p0 $0xFFFFFFC0, v3  }
0x104: {  	v2 =	vor.u32 @!p0 v2, v3;
	v3 =	vand.u32 @!p0 $0x7, v4;
	v4 =	vshrl.u32 @!p0 v4, $0x3  }
0x105: {  	v2 =	vperm.xlane @!p0 v2, v3;
	v3 =	vmul.u32 @!p0 $0x8, v4;
	_ =	sdelay $0x1  }
0x106: {  	v2 =	vadd.s32 @!p0 v3, v2;
	_ =	sdelay $0x3  }
0x107: {  	s5 =	simm.s32 @!p0 $0x12100;
	s0 =	simm.s32 @!p0 $0x0  }
0x108: {  	[tilespmem:s5], [sflag:$0x4] =	stream.indirect_vreg.gather @!p0 [hbm4b:s1+s0], $0x80, v2, vm1, $0xb8;
	[tilespmem:$0x18100] =	vst v63  }
0x109: {  	s5 =	simm.s32 @!p0 $0x12900  }
0x10a: {  	[tilespmem:s5], [sflag:$0x4] =	stream.indirect_vreg.gather @!p0 [hbm4b:s11+s0], $0x80, v2, vm1, $0xb8;
	[tilespmem:$0x18100] =	vst v63  }
0x10b: {  	s2 =	sand.u32 $0x38, s2;
	s26 =	simm.s32 $0x0;
	s5 =	simm.s32 @!p0 $0x13100  }
0x10c: {  	[tilespmem:s5], [sflag:$0x4] =	stream.indirect_vreg.gather @!p0 [hbm4b:s12+s0], $0x80, v2, vm1, $0xb8;
	[tilespmem:$0x18100] =	vst v63  }
0x10d: {  	s19 =	simm.s32 $0x0;
	s24 =	sshll.u32 s2, $0xA;
	s5 =	simm.s32 @!p0 $0x13900  }
0x10e: {  	[tilespmem:s5], [sflag:$0x4] =	stream.indirect_vreg.gather @!p0 [hbm4b:s13+s0], $0x80, v2, vm1, $0xb8;
	[tilespmem:$0x18100] =	vst v63  }
0x10f: {  	s29 =	sand.u32 $0x380, s26;
	s7 =	sor.u32 $0x100, s24;
	_ =	swait.ge [sflag:s25], $0x2000  }
0x110: {  	s30 =	sand.u32 $0x1C00, s19;
	s8 =	sadd.s32 s29, s7;
	[sflag:s25] =	ssyncset.done $0x0  }
0x111: {  	s31 =	sadd.s32 s30, s8;
	[sflag:s25] =	ssyncadd.s32 $0xFFFFE000  }
0x112: {  	v2 =	vld [tilespmem:s31+$0x70]  }
0x113: {  	v6 =	vld [tilespmem:s31+$0x0]  }
0x114: {  	v7 =	vld [tilespmem:s31+$0x10]  }
0x115: {  	v8 =	vld [tilespmem:s31+$0x20]  }
0x116: {  	v4 =	vld [tilespmem:s31+$0x30]  }
0x117: {  	s0 =	sor.u32 s30, s29;
	v5 =	vld [tilespmem:s31+$0x40]  }
0x118: {  	s8 =	sadd.s32 $0x10100, s0;
	v3 =	vld [tilespmem:s31+$0x50]  }
0x119: {  	[tilespmem:s8+$0x6070] =	vst.add.f32.msk $0xffff, v2  }
0x11a: {  	v2 =	vld [tilespmem:s31+$0x60]  }
0x11b: {  	[tilespmem:s0+$0x16100] =	vst.add.f32.msk $0xffff, v6  }
0x11c: {  	[tilespmem:s8+$0x6010] =	vst.add.f32.msk $0xffff, v7  }
0x11d: {  	s26 =	simm.s32 $0x0;
	s28 =	simm.s32 $0x40;
	[tilespmem:s8+$0x6020] =	vst.add.f32.msk $0xffff, v8  }
.LBB2_9:
0x11e: {  	s0 =	sshrl.u32 s28, $0x2;
	s26 =	sadd.s32 $0x8, s26;
	[tilespmem:s8+$0x6030] =	vst.add.f32.msk $0xffff, v4  }
0x11f: {  	s19 =	sadd.s32 $0x400, s19;
	s0 =	sand.u32 $0x380, s0;
	p1 =	slt.u32 s26, $0x1F8;
	[tilespmem:s8+$0x6040] =	vst.add.f32.msk $0xffff, v5  }
0x120: {  	s5 =	sand.u32 $0x1C00, s19;
	s17 =	sadd.s32 s0, s7;
	[tilespmem:s8+$0x6050] =	vst.add.f32.msk $0xffff, v3  }
0x121: {  	s17 =	sadd.s32 s5, s17;
	[tilespmem:s8+$0x6060] =	vst.add.f32.msk $0xffff, v2  }
0x122: {  	v2 =	vld [tilespmem:s17+$0x70]  }
0x123: {  	v6 =	vld [tilespmem:s17+$0x0]  }
0x124: {  	v7 =	vld [tilespmem:s17+$0x10]  }
0x125: {  	s0 =	sor.u32 s5, s0;
	v8 =	vld [tilespmem:s17+$0x20]  }
0x126: {  	s8 =	sadd.s32 $0x10100, s0;
	v4 =	vld [tilespmem:s17+$0x30]  }
0x127: {  	[tilespmem:s8+$0x6070] =	vst.add.f32.msk $0xffff, v2  }
0x128: {  	v5 =	vld [tilespmem:s17+$0x40]  }
.Ltmp5:
0x129: {  	v3 =	vld [tilespmem:s17+$0x50];
	(pc) =	sbr.rel @p1 .LBB2_9-.Ltmp5, $4  }
0x12a: {  	v2 =	vld [tilespmem:s17+$0x60]  }
0x12b: {  	[tilespmem:s0+$0x16100] =	vst.add.f32.msk $0xffff, v6  }
0x12c: {  	[tilespmem:s8+$0x6010] =	vst.add.f32.msk $0xffff, v7  }
0x12d: {  	s28 =	sadd.s32 $0x40, s28;
	[tilespmem:s8+$0x6020] =	vst.add.f32.msk $0xffff, v8  }
.Ltmp6:
0x12e: {  	[tilespmem:s8+$0x6030] =	vst.add.f32.msk $0xffff, v4;
	(pc) =	sbr.rel @p0 .LBB2_12-.Ltmp6, $4  }
0x12f: {  	[tilespmem:s8+$0x6040] =	vst.add.f32.msk $0xffff, v5;
	s0 =	sor.u32 s14, s2  }
0x130: {  	[tilespmem:s8+$0x6050] =	vst.add.f32.msk $0xffff, v3;
	s0 =	sshll.u32 s0, $0x7  }
0x131: {  	[tilespmem:s8+$0x6060] =	vst.add.f32.msk $0xffff, v2;
	s0 =	sadd.s32 s3, s0  }
0x132: {  	[hbm4b:s0+s4] =	stream.linear.scatter [tilespmem:s16], [sflag:$0xA], $0x2000, $0x38;
	[tilespmem:$0x18100] =	vst v63  }
0x133: {  	_ =	swait.ge [sflag:s6], $0x2000  }
0x134: {  	[sflag:s6] =	ssyncset.done $0x0  }
0x135: {  	s0 =	sand.u32 $0x3FFFFFE0, s10;
	[sflag:s6] =	ssyncadd.s32 $0xFFFFE000  }
0x136: {  	v2 =	vld.msk [tilespmem:s0+$0x30], $0xff;
	_ =	sdelay $0x4  }
0x137: {  	v3 =	vshll.u32 v2, $0x3  }
0x138: {  	v2 =	vand.u32 $0x7, v2;
	v3 =	vand.u32 $0xFFFFFFC0, v3  }
0x139: {  	v2 =	vor.u32 v2, v3  }
0x13a: {  	v2 =	vperm.xlane v2, v0;
	_ =	sdelay $0x1  }
0x13b: {  	v2 =	vadd.s32 v1, v2;
	_ =	sdelay $0x4  }
0x13c: {  	[tilespmem:s18], [sflag:$0x5] =	stream.indirect_vreg.gather [hbm4b:s1+s4], $0x80, v2, vm0, $0xb8;
	[tilespmem:$0x18100] =	vst v63  }
0x13d: {  	s29 =	simm.s32 $0x14900  }
0x13e: {  	[tilespmem:s29], [sflag:$0x5] =	stream.indirect_vreg.gather [hbm4b:s11+s4], $0x80, v2, vm0, $0xb8;
	[tilespmem:$0x18100] =	vst v63  }
.Ltmp7:
0x13f: {  	_ = 	snop;
	(pc) =	sbr.rel .LBB2_2-.Ltmp7, $4  }
0x140: {  	s30 =	simm.s32 $0x15100  }
0x141: {  	[tilespmem:s30], [sflag:$0x5] =	stream.indirect_vreg.gather [hbm4b:s12+s4], $0x80, v2, vm0, $0xb8;
	[tilespmem:$0x18100] =	vst v63  }
0x142: {  	s31 =	simm.s32 $0x15900;
	s9 =	sadd.s32 $0x1, s9  }
0x143: {  	[tilespmem:s31], [sflag:$0x5] =	stream.indirect_vreg.gather [hbm4b:s13+s4], $0x80, v2, vm0, $0xb8;
	[tilespmem:$0x18100] =	vst v63  }
.LBB2_13:
0x144: {  	_ =	sfence.sel $0x180000  }
0x145: {  	[bflag:$0x0] =	sbarrier.arrive $0xFFFF  }
0x146: {  	_ =	strace $0x90000047  }
0x147: {  	s0 =	stileid.u32;
	[bflag:$0x2] =	sbarrier.arrive $0xFFFF  }
0x148: {  	p0 =	sne.s32 s0, $0x0;
	s0 =	rddreg [dreg:$0x4]  }
0x149: {  	s0 =	sadd.s32 @!p0 $0x100000, s0  }
0x14a: {  	[sflag:s0] =	ssyncadd.tile.s32 @!p0 $0x1;
	_ =	shalt  }
.Lfunc_end2:
_tile_overlayer_lowered:
.L_overlay_start_2:
0x14b: {  	(tag) =	ssettag $0x2  }
0x14c: {  	s0 =	rddreg [dreg:$0x0];
	s2 =	stileid.u32  }
0x14d: {  	s1 =	rddreg [dreg:$0x1];
	p0 =	sne.s32 s2, $0x0  }
0x14e: {  	s3 =	rddreg [dreg:$0x2];
	[bflag:$0x3] =	sbarrier.arrive $0xFFFF;
	s2 =	simm.s32 @!p0 $0x1C0B  }
0x14f: {  	[timem:s3], [sflag:s2] =	dma.local @!p0 [hbm:s0], s1  }
0x150: {  	s0 =	simm.s32 @!p0 $0xB  }
0x151: {  	_ =	swait.ge @!p0 [sflag:s0], s1  }
0x152: {  	s1 =	ssub.s32 @!p0 $0x0, s1;
	[sflag:s0] =	ssyncset.done @!p0 $0x0  }
0x153: {  	[sflag:s0] =	ssyncadd.s32 @!p0 s1  }
0x154: {  	[bflag:$0x3] =	sbarrier.arrive $0xFFFF  }
0x155: {  	_ =	shalt  }

</sc_bundles>
